<compile_context>
chip_gen: v7x
topology: tpu7x:2x2x1
jax: 0.10.2.dev20260603
libtpu: 0.0.44.dev20260713+nightly
codegen_flags: <defaults>
</compile_context>

<pallas_src>
import functools

import jax
import jax.numpy as jnp
from jax import lax
from jax.experimental import pallas as pl
from jax.experimental.pallas import tpu as pltpu
from jax.experimental.pallas import tpu_sc as plsc

N = 100000
D = 512
G = 512
GPS = 520
BLK = 6400
NBLK = 16
NC, NS = 2, 16
NW = NC * NS
CS = 3200
NCH = 1
CPT = NCH * CS
NPAD = NW * CPT
LAST_X_BLK = (N - 1) // BLK
LW = NW - 1
NVALID = N - LW * CPT


def _stage1_body(x_ref, wt_ref, b_ref, p0_ref, p1_ref, p2_ref):
    x = x_ref[...]
    yt = lax.dot_general(wt_ref[...], x, (((1,), (1,)), ((), ())),
                         preferred_element_type=jnp.float32)
    yt = yt + b_ref[...]
    vals = jnp.exp(yt[0:1])
    p0_ref[0] = vals
    p1_ref[0] = yt[1:2] * vals
    p2_ref[0] = yt[2:3] * vals


def _stage2_body(v0_hbm, v1_hbm, v2_hbm, ids_hbm, dump_hbm, zeros_hbm,
                 part_hbm, v0_v, v1_v, v2_v, ids_v, stage_v,
                 acc0, acc1, acc2):
    c = lax.axis_index("c")
    s = lax.axis_index("s")
    w = s * NC + c
    base = w * CPT
    accs = [acc0, acc1, acc2]

    @pl.when(s == 0)
    def _zero():
        pltpu.sync_copy(zeros_hbm, stage_v)
        pltpu.sync_copy(stage_v, acc0)
        pltpu.sync_copy(stage_v, acc1)
        pltpu.sync_copy(stage_v, acc2)
    plsc.subcore_barrier()

    pltpu.sync_copy(v0_hbm.at[pl.ds(base, CPT)], v0_v)
    pltpu.sync_copy(v1_hbm.at[pl.ds(base, CPT)], v1_v)
    pltpu.sync_copy(v2_hbm.at[pl.ds(base, CPT)], v2_v)
    @pl.when(w < NW - 1)
    def _ids_full():
        pltpu.sync_copy(ids_hbm.at[pl.ds(base, CPT)], ids_v)

    @pl.when(w == NW - 1)
    def _ids_tail():
        pltpu.sync_copy(ids_hbm.at[pl.ds(LW * CPT, NVALID)],
                        ids_v.at[pl.ds(0, NVALID)])
        pltpu.sync_copy(dump_hbm, ids_v.at[pl.ds(NVALID, NPAD - N)])

    for j in range(NCH):
        idsj = ids_v.at[pl.ds(j * CS, CS)]
        sl = pl.ds(j * CS, CS)
        pltpu.sync_copy(v0_v.at[sl], acc0.at[idsj], add=True)
        pltpu.sync_copy(v1_v.at[sl], acc1.at[idsj], add=True)
        pltpu.sync_copy(v2_v.at[sl], acc2.at[idsj], add=True)
    plsc.subcore_barrier()

    @pl.when(s == 0)
    def _emit():
        for k in range(3):
            pltpu.sync_copy(accs[k], stage_v)
            pltpu.sync_copy(stage_v,
                            part_hbm.at[pl.ds((c * 3 + k) * GPS, GPS)])


_stage2 = functools.partial(
    pl.kernel,
    out_type=jax.ShapeDtypeStruct((NC * 3 * GPS,), jnp.float32),
    mesh=plsc.VectorSubcoreMesh(core_axis_name="c", subcore_axis_name="s"),
    scratch_types=[
        pltpu.VMEM((CPT,), jnp.float32),
        pltpu.VMEM((CPT,), jnp.float32),
        pltpu.VMEM((CPT,), jnp.float32),
        pltpu.VMEM((CPT,), jnp.int32),
        pltpu.VMEM((GPS,), jnp.float32),
        pltpu.VMEM_SHARED((GPS,), jnp.float32),
        pltpu.VMEM_SHARED((GPS,), jnp.float32),
        pltpu.VMEM_SHARED((GPS,), jnp.float32),
    ],
)(_stage2_body)


def _stage3_body(part_ref, out_ref):
    a = part_ref[0] + part_ref[1]
    gr = a[1:3, 0:G] / (a[0:1, 0:G] + 1e-16)
    e2 = (lax.broadcasted_iota(jnp.int32, (2, 2), 0)
          == lax.broadcasted_iota(jnp.int32, (2, 2), 1)).astype(jnp.float32)
    out_ref[...] = lax.dot_general(gr, e2, (((0,), (0,)), ((), ())),
                                   preferred_element_type=jnp.float32)


def kernel(states, graph_ids, gate_W, gate_b, out_W, out_b):
    w4t = jnp.concatenate(
        [gate_W, out_W, jnp.zeros((D, 1), jnp.float32)], axis=1).T
    b4 = jnp.concatenate(
        [gate_b, out_b, jnp.zeros((1,), jnp.float32)]).reshape(4, 1)

    shp = jax.ShapeDtypeStruct((NBLK, 1, BLK), jnp.float32)
    v0, v1, v2 = pl.pallas_call(
        _stage1_body,
        grid=(NBLK,),
        in_specs=[
            pl.BlockSpec((BLK, D), lambda i: (jnp.minimum(i, LAST_X_BLK), 0)),
            pl.BlockSpec((4, D), lambda i: (0, 0)),
            pl.BlockSpec((4, 1), lambda i: (0, 0)),
        ],
        out_specs=[
            pl.BlockSpec((1, 1, BLK), lambda i: (i, 0, 0)),
            pl.BlockSpec((1, 1, BLK), lambda i: (i, 0, 0)),
            pl.BlockSpec((1, 1, BLK), lambda i: (i, 0, 0)),
        ],
        out_shape=[shp, shp, shp],
    )(states, w4t, b4)

    dump = jnp.full((NPAD - N,), G, jnp.int32)
    zeros = jnp.zeros((GPS,), jnp.float32)

    partials = _stage2(v0.reshape(NPAD), v1.reshape(NPAD), v2.reshape(NPAD),
                       graph_ids.astype(jnp.int32), dump,
                       zeros).reshape(NC, 3, GPS)

    return pl.pallas_call(
        _stage3_body,
        in_specs=[pl.BlockSpec((NC, 3, GPS), lambda: (0, 0, 0))],
        out_specs=pl.BlockSpec((G, 2), lambda: (0, 0)),
        out_shape=jax.ShapeDtypeStruct((G, 2), jnp.float32),
    )(partials)

# --- scband reference (transcript-rebuilt; emitter-appended) ---
"""Pipeline reference for scband-global-attention-layer-10977936408825 (READ-ONLY COPY).

The authoritative reference and input builder live on the scoring server;
editing this copy changes nothing except your own understanding.
"""

import jax, jax.numpy as jnp
import numpy as np

N = 100000
D = 512
NUM_GRAPH_MAX = 512


def setup_inputs(seed: int = 0) -> dict:
    key = jax.random.key(seed)
    k1, k2, k3, k4 = jax.random.split(key, 4)
    states = jax.random.normal(k1, (N, D), dtype=jnp.float32)
    graph_ids = jnp.sort(jax.random.randint(k2, (N,), 0, NUM_GRAPH_MAX))
    gate_W = jax.random.normal(k3, (D, 1), dtype=jnp.float32) * (1.0 / np.sqrt(D))
    gate_b = jnp.zeros((1,), dtype=jnp.float32)
    out_W = jax.random.normal(k4, (D, 2), dtype=jnp.float32) * (1.0 / np.sqrt(D))
    out_b = jnp.zeros((2,), dtype=jnp.float32)
    return {"states": states, "graph_ids": graph_ids, "gate_W": gate_W,
            "gate_b": gate_b, "out_W": out_W, "out_b": out_b}


def reference(states, graph_ids, gate_W, gate_b, out_W, out_b):
    num_graphs = NUM_GRAPH_MAX
    # gate = Dense(1)(states) squeezed
    gate = jnp.squeeze(states @ gate_W + gate_b, -1)
    # segment_softmax (global max subtraction, as in the TF code)
    gate = gate - jax.lax.stop_gradient(jnp.max(gate))
    vals = jnp.exp(gate)
    sums = jax.ops.segment_sum(vals, graph_ids, num_segments=num_graphs)
    # gather_dense_grad(sums, segments) == sums[graph_ids] (dense grad is automatic in jax)
    gate = vals / (sums[graph_ids] + 1e-16)
    # outputs = Dense(2)(states), weighted by gate, segment-summed per graph
    outputs = states @ out_W + out_b
    outputs = outputs * gate[:, None]
    return jax.ops.segment_sum(outputs, graph_ids, num_segments=num_graphs)

if __name__ == "__main__":
    import jax
    _d = setup_inputs()
    print(jax.jit(kernel)(*tuple(_d.values())))

</pallas_src>

<mosaic_0001>
#map = affine_map<(d0, d1) -> (0)>
module attributes {stable_mosaic.version = 14 : i64} {
  func.func @_stage2_body(%arg0: i32, %arg1: i32, %arg2: memref<102400xf32, #tpu.memory_space<hbm>>, %arg3: memref<102400xf32, #tpu.memory_space<hbm>>, %arg4: memref<102400xf32, #tpu.memory_space<hbm>>, %arg5: memref<100000xi32, #tpu.memory_space<hbm>>, %arg6: memref<2400xi32, #tpu.memory_space<hbm>>, %arg7: memref<520xf32, #tpu.memory_space<hbm>>, %arg8: memref<3120xf32, #tpu.memory_space<hbm>>, %arg9: memref<3200xf32, #tpu.memory_space<vmem>>, %arg10: memref<3200xf32, #tpu.memory_space<vmem>>, %arg11: memref<3200xf32, #tpu.memory_space<vmem>>, %arg12: memref<3200xi32, #tpu.memory_space<vmem>>, %arg13: memref<520xf32, #tpu.memory_space<vmem>>, %arg14: memref<520xf32, #tpu.memory_space<vmem_shared>>, %arg15: memref<520xf32, #tpu.memory_space<vmem_shared>>, %arg16: memref<520xf32, #tpu.memory_space<vmem_shared>>) attributes {dimension_semantics = [#tpu.dimension_semantics<core_parallel>, #tpu.dimension_semantics<subcore_parallel>], iteration_bounds = array<i64: 2, 16>, scalar_prefetch = 0 : i64, scratch_operands = 8 : i64, tpu.core_type = #tpu.core_type<sc_vector_subcore>, window_params = [{transform_indices = #map}, {transform_indices = #map}, {transform_indices = #map}, {transform_indices = #map}, {transform_indices = #map}, {transform_indices = #map}, {transform_indices = #map}]} {
    %mul3A = arith.constant 2 : i32
    %mul3A_0 = arith.muli %arg1, %mul3A : i32
    %add3A = arith.addi %mul3A_0, %arg0 : i32
    %mul3A_1 = arith.constant 3200 : i32
    %mul3A_2 = arith.muli %add3A, %mul3A_1 : i32
    %eq3A = arith.constant 0 : i32
    %eq3A_3 = arith.cmpi eq, %arg1, %eq3A : i32
    %convert_element_type3A = arith.extui %eq3A_3 : i1 to i32
    %cond3A = arith.constant 0 : i32
    %cond3A_4 = arith.cmpi ne, %convert_element_type3A, %cond3A : i32
    scf.if %cond3A_4 {
      "tpu.region"() ({
        %run_scoped3A = tpu.sem_alloc : memref<!tpu.dma_semaphore, #tpu.memory_space<semaphore_mem>>
        tpu.enqueue_dma source(%arg7 : memref<520xf32, #tpu.memory_space<hbm>>) target(%arg13 : memref<520xf32, #tpu.memory_space<vmem>>) target_semaphore(%run_scoped3A : memref<!tpu.dma_semaphore, #tpu.memory_space<semaphore_mem>>)
        tpu.wait_dma2 semaphore(%run_scoped3A : memref<!tpu.dma_semaphore, #tpu.memory_space<semaphore_mem>>) src(%arg7 : memref<520xf32, #tpu.memory_space<hbm>>) dst(%arg13 : memref<520xf32, #tpu.memory_space<vmem>>)
        tpu.yield
      }) : () -> ()
      "tpu.region"() ({
        %run_scoped3A = tpu.sem_alloc : memref<!tpu.dma_semaphore, #tpu.memory_space<semaphore_mem>>
        tpu.enqueue_dma source(%arg13 : memref<520xf32, #tpu.memory_space<vmem>>) target(%arg14 : memref<520xf32, #tpu.memory_space<vmem_shared>>) target_semaphore(%run_scoped3A : memref<!tpu.dma_semaphore, #tpu.memory_space<semaphore_mem>>)
        tpu.wait_dma2 semaphore(%run_scoped3A : memref<!tpu.dma_semaphore, #tpu.memory_space<semaphore_mem>>) src(%arg13 : memref<520xf32, #tpu.memory_space<vmem>>) dst(%arg14 : memref<520xf32, #tpu.memory_space<vmem_shared>>)
        tpu.yield
      }) : () -> ()
      "tpu.region"() ({
        %run_scoped3A = tpu.sem_alloc : memref<!tpu.dma_semaphore, #tpu.memory_space<semaphore_mem>>
        tpu.enqueue_dma source(%arg13 : memref<520xf32, #tpu.memory_space<vmem>>) target(%arg15 : memref<520xf32, #tpu.memory_space<vmem_shared>>) target_semaphore(%run_scoped3A : memref<!tpu.dma_semaphore, #tpu.memory_space<semaphore_mem>>)
        tpu.wait_dma2 semaphore(%run_scoped3A : memref<!tpu.dma_semaphore, #tpu.memory_space<semaphore_mem>>) src(%arg13 : memref<520xf32, #tpu.memory_space<vmem>>) dst(%arg15 : memref<520xf32, #tpu.memory_space<vmem_shared>>)
        tpu.yield
      }) : () -> ()
      "tpu.region"() ({
        %run_scoped3A = tpu.sem_alloc : memref<!tpu.dma_semaphore, #tpu.memory_space<semaphore_mem>>
        tpu.enqueue_dma source(%arg13 : memref<520xf32, #tpu.memory_space<vmem>>) target(%arg16 : memref<520xf32, #tpu.memory_space<vmem_shared>>) target_semaphore(%run_scoped3A : memref<!tpu.dma_semaphore, #tpu.memory_space<semaphore_mem>>)
        tpu.wait_dma2 semaphore(%run_scoped3A : memref<!tpu.dma_semaphore, #tpu.memory_space<semaphore_mem>>) src(%arg13 : memref<520xf32, #tpu.memory_space<vmem>>) dst(%arg16 : memref<520xf32, #tpu.memory_space<vmem_shared>>)
        tpu.yield
      }) : () -> ()
    } else {
    }
    %barrier3A = arith.constant 0 : index
    tpu.barrier barrier_id(%barrier3A)
    "tpu.region"() ({
      %run_scoped3A = tpu.sem_alloc : memref<!tpu.dma_semaphore, #tpu.memory_space<semaphore_mem>>
      %dma_start3A = tpu.memref_slice %arg2[%mul3A_2] : memref<102400xf32, #tpu.memory_space<hbm>> -> memref<3200xf32, #tpu.memory_space<hbm>>
      %dma_start3A_20 = tpu.memref_slice %arg2[%mul3A_2] : memref<102400xf32, #tpu.memory_space<hbm>> -> memref<3200xf32, #tpu.memory_space<hbm>>
      tpu.enqueue_dma source(%dma_start3A_20 : memref<3200xf32, #tpu.memory_space<hbm>>) target(%arg9 : memref<3200xf32, #tpu.memory_space<vmem>>) target_semaphore(%run_scoped3A : memref<!tpu.dma_semaphore, #tpu.memory_space<semaphore_mem>>)
      %dma_wait3A = tpu.memref_slice %arg2[%mul3A_2] : memref<102400xf32, #tpu.memory_space<hbm>> -> memref<3200xf32, #tpu.memory_space<hbm>>
      %dma_wait3A_21 = tpu.memref_slice %arg2[%mul3A_2] : memref<102400xf32, #tpu.memory_space<hbm>> -> memref<3200xf32, #tpu.memory_space<hbm>>
      tpu.wait_dma2 semaphore(%run_scoped3A : memref<!tpu.dma_semaphore, #tpu.memory_space<semaphore_mem>>) src(%dma_wait3A_21 : memref<3200xf32, #tpu.memory_space<hbm>>) dst(%arg9 : memref<3200xf32, #tpu.memory_space<vmem>>)
      tpu.yield
    }) : () -> ()
    "tpu.region"() ({
      %run_scoped3A = tpu.sem_alloc : memref<!tpu.dma_semaphore, #tpu.memory_space<semaphore_mem>>
      %dma_start3A = tpu.memref_slice %arg3[%mul3A_2] : memref<102400xf32, #tpu.memory_space<hbm>> -> memref<3200xf32, #tpu.memory_space<hbm>>
      %dma_start3A_20 = tpu.memref_slice %arg3[%mul3A_2] : memref<102400xf32, #tpu.memory_space<hbm>> -> memref<3200xf32, #tpu.memory_space<hbm>>
      tpu.enqueue_dma source(%dma_start3A_20 : memref<3200xf32, #tpu.memory_space<hbm>>) target(%arg10 : memref<3200xf32, #tpu.memory_space<vmem>>) target_semaphore(%run_scoped3A : memref<!tpu.dma_semaphore, #tpu.memory_space<semaphore_mem>>)
      %dma_wait3A = tpu.memref_slice %arg3[%mul3A_2] : memref<102400xf32, #tpu.memory_space<hbm>> -> memref<3200xf32, #tpu.memory_space<hbm>>
      %dma_wait3A_21 = tpu.memref_slice %arg3[%mul3A_2] : memref<102400xf32, #tpu.memory_space<hbm>> -> memref<3200xf32, #tpu.memory_space<hbm>>
      tpu.wait_dma2 semaphore(%run_scoped3A : memref<!tpu.dma_semaphore, #tpu.memory_space<semaphore_mem>>) src(%dma_wait3A_21 : memref<3200xf32, #tpu.memory_space<hbm>>) dst(%arg10 : memref<3200xf32, #tpu.memory_space<vmem>>)
      tpu.yield
    }) : () -> ()
    "tpu.region"() ({
      %run_scoped3A = tpu.sem_alloc : memref<!tpu.dma_semaphore, #tpu.memory_space<semaphore_mem>>
      %dma_start3A = tpu.memref_slice %arg4[%mul3A_2] : memref<102400xf32, #tpu.memory_space<hbm>> -> memref<3200xf32, #tpu.memory_space<hbm>>
      %dma_start3A_20 = tpu.memref_slice %arg4[%mul3A_2] : memref<102400xf32, #tpu.memory_space<hbm>> -> memref<3200xf32, #tpu.memory_space<hbm>>
      tpu.enqueue_dma source(%dma_start3A_20 : memref<3200xf32, #tpu.memory_space<hbm>>) target(%arg11 : memref<3200xf32, #tpu.memory_space<vmem>>) target_semaphore(%run_scoped3A : memref<!tpu.dma_semaphore, #tpu.memory_space<semaphore_mem>>)
      %dma_wait3A = tpu.memref_slice %arg4[%mul3A_2] : memref<102400xf32, #tpu.memory_space<hbm>> -> memref<3200xf32, #tpu.memory_space<hbm>>
      %dma_wait3A_21 = tpu.memref_slice %arg4[%mul3A_2] : memref<102400xf32, #tpu.memory_space<hbm>> -> memref<3200xf32, #tpu.memory_space<hbm>>
      tpu.wait_dma2 semaphore(%run_scoped3A : memref<!tpu.dma_semaphore, #tpu.memory_space<semaphore_mem>>) src(%dma_wait3A_21 : memref<3200xf32, #tpu.memory_space<hbm>>) dst(%arg11 : memref<3200xf32, #tpu.memory_space<vmem>>)
      tpu.yield
    }) : () -> ()
    %lt3A = arith.constant 31 : i32
    %lt3A_5 = arith.cmpi slt, %add3A, %lt3A : i32
    %convert_element_type3A_6 = arith.extui %lt3A_5 : i1 to i32
    %cond3A_7 = arith.constant 0 : i32
    %cond3A_8 = arith.cmpi ne, %convert_element_type3A_6, %cond3A_7 : i32
    scf.if %cond3A_8 {
      "tpu.region"() ({
        %run_scoped3A = tpu.sem_alloc : memref<!tpu.dma_semaphore, #tpu.memory_space<semaphore_mem>>
        %dma_start3A = tpu.memref_slice %arg5[%mul3A_2] : memref<100000xi32, #tpu.memory_space<hbm>> -> memref<3200xi32, #tpu.memory_space<hbm>>
        %dma_start3A_20 = tpu.memref_slice %arg5[%mul3A_2] : memref<100000xi32, #tpu.memory_space<hbm>> -> memref<3200xi32, #tpu.memory_space<hbm>>
        tpu.enqueue_dma source(%dma_start3A_20 : memref<3200xi32, #tpu.memory_space<hbm>>) target(%arg12 : memref<3200xi32, #tpu.memory_space<vmem>>) target_semaphore(%run_scoped3A : memref<!tpu.dma_semaphore, #tpu.memory_space<semaphore_mem>>)
        %dma_wait3A = tpu.memref_slice %arg5[%mul3A_2] : memref<100000xi32, #tpu.memory_space<hbm>> -> memref<3200xi32, #tpu.memory_space<hbm>>
        %dma_wait3A_21 = tpu.memref_slice %arg5[%mul3A_2] : memref<100000xi32, #tpu.memory_space<hbm>> -> memref<3200xi32, #tpu.memory_space<hbm>>
        tpu.wait_dma2 semaphore(%run_scoped3A : memref<!tpu.dma_semaphore, #tpu.memory_space<semaphore_mem>>) src(%dma_wait3A_21 : memref<3200xi32, #tpu.memory_space<hbm>>) dst(%arg12 : memref<3200xi32, #tpu.memory_space<vmem>>)
        tpu.yield
      }) : () -> ()
    } else {
    }
    %eq3A_9 = arith.constant 31 : i32
    %eq3A_10 = arith.cmpi eq, %add3A, %eq3A_9 : i32
    %convert_element_type3A_11 = arith.extui %eq3A_10 : i1 to i32
    %cond3A_12 = arith.constant 0 : i32
    %cond3A_13 = arith.cmpi ne, %convert_element_type3A_11, %cond3A_12 : i32
    scf.if %cond3A_13 {
      "tpu.region"() ({
        %run_scoped3A = tpu.sem_alloc : memref<!tpu.dma_semaphore, #tpu.memory_space<semaphore_mem>>
        %dma_start3A = arith.constant 0 : i32
        %dma_start3A_20 = tpu.memref_slice %arg12[%dma_start3A] : memref<3200xi32, #tpu.memory_space<vmem>> -> memref<800xi32, #tpu.memory_space<vmem>>
        %dma_start3A_21 = arith.constant 99200 : i32
        %dma_start3A_22 = tpu.memref_slice %arg5[%dma_start3A_21] : memref<100000xi32, #tpu.memory_space<hbm>> -> memref<800xi32, #tpu.memory_space<hbm>>
        %dma_start3A_23 = arith.constant 0 : i32
        %dma_start3A_24 = tpu.memref_slice %arg12[%dma_start3A_23] : memref<3200xi32, #tpu.memory_space<vmem>> -> memref<800xi32, #tpu.memory_space<vmem>>
        %dma_start3A_25 = arith.constant 99200 : i32
        %dma_start3A_26 = tpu.memref_slice %arg5[%dma_start3A_25] : memref<100000xi32, #tpu.memory_space<hbm>> -> memref<800xi32, #tpu.memory_space<hbm>>
        tpu.enqueue_dma source(%dma_start3A_26 : memref<800xi32, #tpu.memory_space<hbm>>) target(%dma_start3A_24 : memref<800xi32, #tpu.memory_space<vmem>>) target_semaphore(%run_scoped3A : memref<!tpu.dma_semaphore, #tpu.memory_space<semaphore_mem>>)
        %dma_wait3A = arith.constant 0 : i32
        %dma_wait3A_27 = tpu.memref_slice %arg12[%dma_wait3A] : memref<3200xi32, #tpu.memory_space<vmem>> -> memref<800xi32, #tpu.memory_space<vmem>>
        %dma_wait3A_28 = arith.constant 99200 : i32
        %dma_wait3A_29 = tpu.memref_slice %arg5[%dma_wait3A_28] : memref<100000xi32, #tpu.memory_space<hbm>> -> memref<800xi32, #tpu.memory_space<hbm>>
        %dma_wait3A_30 = arith.constant 0 : i32
        %dma_wait3A_31 = tpu.memref_slice %arg12[%dma_wait3A_30] : memref<3200xi32, #tpu.memory_space<vmem>> -> memref<800xi32, #tpu.memory_space<vmem>>
        %dma_wait3A_32 = arith.constant 99200 : i32
        %dma_wait3A_33 = tpu.memref_slice %arg5[%dma_wait3A_32] : memref<100000xi32, #tpu.memory_space<hbm>> -> memref<800xi32, #tpu.memory_space<hbm>>
        tpu.wait_dma2 semaphore(%run_scoped3A : memref<!tpu.dma_semaphore, #tpu.memory_space<semaphore_mem>>) src(%dma_wait3A_33 : memref<800xi32, #tpu.memory_space<hbm>>) dst(%dma_wait3A_31 : memref<800xi32, #tpu.memory_space<vmem>>)
        tpu.yield
      }) : () -> ()
      "tpu.region"() ({
        %run_scoped3A = tpu.sem_alloc : memref<!tpu.dma_semaphore, #tpu.memory_space<semaphore_mem>>
        %dma_start3A = arith.constant 800 : i32
        %dma_start3A_20 = tpu.memref_slice %arg12[%dma_start3A] : memref<3200xi32, #tpu.memory_space<vmem>> -> memref<2400xi32, #tpu.memory_space<vmem>>
        %dma_start3A_21 = arith.constant 800 : i32
        %dma_start3A_22 = tpu.memref_slice %arg12[%dma_start3A_21] : memref<3200xi32, #tpu.memory_space<vmem>> -> memref<2400xi32, #tpu.memory_space<vmem>>
        tpu.enqueue_dma source(%arg6 : memref<2400xi32, #tpu.memory_space<hbm>>) target(%dma_start3A_22 : memref<2400xi32, #tpu.memory_space<vmem>>) target_semaphore(%run_scoped3A : memref<!tpu.dma_semaphore, #tpu.memory_space<semaphore_mem>>)
        %dma_wait3A = arith.constant 800 : i32
        %dma_wait3A_23 = tpu.memref_slice %arg12[%dma_wait3A] : memref<3200xi32, #tpu.memory_space<vmem>> -> memref<2400xi32, #tpu.memory_space<vmem>>
        %dma_wait3A_24 = arith.constant 800 : i32
        %dma_wait3A_25 = tpu.memref_slice %arg12[%dma_wait3A_24] : memref<3200xi32, #tpu.memory_space<vmem>> -> memref<2400xi32, #tpu.memory_space<vmem>>
        tpu.wait_dma2 semaphore(%run_scoped3A : memref<!tpu.dma_semaphore, #tpu.memory_space<semaphore_mem>>) src(%arg6 : memref<2400xi32, #tpu.memory_space<hbm>>) dst(%dma_wait3A_25 : memref<2400xi32, #tpu.memory_space<vmem>>)
        tpu.yield
      }) : () -> ()
    } else {
    }
    "tpu.region"() ({
      %run_scoped3A = tpu.sem_alloc : memref<!tpu.dma_semaphore, #tpu.memory_space<semaphore_mem>>
      %dma_start3A = arith.constant 0 : i32
      %dma_start3A_20 = tpu.memref_slice %arg9[%dma_start3A] : memref<3200xf32, #tpu.memory_space<vmem>> -> memref<3200xf32, #tpu.memory_space<vmem>>
      %dma_start3A_21 = arith.constant 0 : i32
      %dma_start3A_22 = tpu.memref_slice %arg12[%dma_start3A_21] : memref<3200xi32, #tpu.memory_space<vmem>> -> memref<3200xi32, #tpu.memory_space<vmem>>
      %dma_start3A_23 = arith.constant 0 : i32
      %dma_start3A_24 = tpu.memref_slice %arg14[%dma_start3A_23] : memref<520xf32, #tpu.memory_space<vmem_shared>> -> memref<520xf32, #tpu.memory_space<vmem_shared>>
      tpu.enqueue_indirect_dma source(%dma_start3A_20 : memref<3200xf32, #tpu.memory_space<vmem>>) target(%dma_start3A_24 : memref<520xf32, #tpu.memory_space<vmem_shared>>) offsets(%dma_start3A_22 : memref<3200xi32, #tpu.memory_space<vmem>>) semaphore(%run_scoped3A : memref<!tpu.dma_semaphore, #tpu.memory_space<semaphore_mem>>) {add = true}
      %dma_wait3A = arith.constant 0 : i32
      %dma_wait3A_25 = tpu.memref_slice %arg9[%dma_wait3A] : memref<3200xf32, #tpu.memory_space<vmem>> -> memref<3200xf32, #tpu.memory_space<vmem>>
      %dma_wait3A_26 = arith.constant 0 : i32
      %dma_wait3A_27 = tpu.memref_slice %arg12[%dma_wait3A_26] : memref<3200xi32, #tpu.memory_space<vmem>> -> memref<3200xi32, #tpu.memory_space<vmem>>
      %dma_wait3A_28 = arith.constant 0 : i32
      %dma_wait3A_29 = tpu.memref_slice %arg14[%dma_wait3A_28] : memref<520xf32, #tpu.memory_space<vmem_shared>> -> memref<520xf32, #tpu.memory_space<vmem_shared>>
      tpu.wait_indirect_dma semaphore(%run_scoped3A : memref<!tpu.dma_semaphore, #tpu.memory_space<semaphore_mem>>) src(%dma_wait3A_25 : memref<3200xf32, #tpu.memory_space<vmem>>) dst(%dma_wait3A_29 : memref<520xf32, #tpu.memory_space<vmem_shared>>)
      tpu.yield
    }) : () -> ()
    "tpu.region"() ({
      %run_scoped3A = tpu.sem_alloc : memref<!tpu.dma_semaphore, #tpu.memory_space<semaphore_mem>>
      %dma_start3A = arith.constant 0 : i32
      %dma_start3A_20 = tpu.memref_slice %arg10[%dma_start3A] : memref<3200xf32, #tpu.memory_space<vmem>> -> memref<3200xf32, #tpu.memory_space<vmem>>
      %dma_start3A_21 = arith.constant 0 : i32
      %dma_start3A_22 = tpu.memref_slice %arg12[%dma_start3A_21] : memref<3200xi32, #tpu.memory_space<vmem>> -> memref<3200xi32, #tpu.memory_space<vmem>>
      %dma_start3A_23 = arith.constant 0 : i32
      %dma_start3A_24 = tpu.memref_slice %arg15[%dma_start3A_23] : memref<520xf32, #tpu.memory_space<vmem_shared>> -> memref<520xf32, #tpu.memory_space<vmem_shared>>
      tpu.enqueue_indirect_dma source(%dma_start3A_20 : memref<3200xf32, #tpu.memory_space<vmem>>) target(%dma_start3A_24 : memref<520xf32, #tpu.memory_space<vmem_shared>>) offsets(%dma_start3A_22 : memref<3200xi32, #tpu.memory_space<vmem>>) semaphore(%run_scoped3A : memref<!tpu.dma_semaphore, #tpu.memory_space<semaphore_mem>>) {add = true}
      %dma_wait3A = arith.constant 0 : i32
      %dma_wait3A_25 = tpu.memref_slice %arg10[%dma_wait3A] : memref<3200xf32, #tpu.memory_space<vmem>> -> memref<3200xf32, #tpu.memory_space<vmem>>
      %dma_wait3A_26 = arith.constant 0 : i32
      %dma_wait3A_27 = tpu.memref_slice %arg12[%dma_wait3A_26] : memref<3200xi32, #tpu.memory_space<vmem>> -> memref<3200xi32, #tpu.memory_space<vmem>>
      %dma_wait3A_28 = arith.constant 0 : i32
      %dma_wait3A_29 = tpu.memref_slice %arg15[%dma_wait3A_28] : memref<520xf32, #tpu.memory_space<vmem_shared>> -> memref<520xf32, #tpu.memory_space<vmem_shared>>
      tpu.wait_indirect_dma semaphore(%run_scoped3A : memref<!tpu.dma_semaphore, #tpu.memory_space<semaphore_mem>>) src(%dma_wait3A_25 : memref<3200xf32, #tpu.memory_space<vmem>>) dst(%dma_wait3A_29 : memref<520xf32, #tpu.memory_space<vmem_shared>>)
      tpu.yield
    }) : () -> ()
    "tpu.region"() ({
      %run_scoped3A = tpu.sem_alloc : memref<!tpu.dma_semaphore, #tpu.memory_space<semaphore_mem>>
      %dma_start3A = arith.constant 0 : i32
      %dma_start3A_20 = tpu.memref_slice %arg11[%dma_start3A] : memref<3200xf32, #tpu.memory_space<vmem>> -> memref<3200xf32, #tpu.memory_space<vmem>>
      %dma_start3A_21 = arith.constant 0 : i32
      %dma_start3A_22 = tpu.memref_slice %arg12[%dma_start3A_21] : memref<3200xi32, #tpu.memory_space<vmem>> -> memref<3200xi32, #tpu.memory_space<vmem>>
      %dma_start3A_23 = arith.constant 0 : i32
      %dma_start3A_24 = tpu.memref_slice %arg16[%dma_start3A_23] : memref<520xf32, #tpu.memory_space<vmem_shared>> -> memref<520xf32, #tpu.memory_space<vmem_shared>>
      tpu.enqueue_indirect_dma source(%dma_start3A_20 : memref<3200xf32, #tpu.memory_space<vmem>>) target(%dma_start3A_24 : memref<520xf32, #tpu.memory_space<vmem_shared>>) offsets(%dma_start3A_22 : memref<3200xi32, #tpu.memory_space<vmem>>) semaphore(%run_scoped3A : memref<!tpu.dma_semaphore, #tpu.memory_space<semaphore_mem>>) {add = true}
      %dma_wait3A = arith.constant 0 : i32
      %dma_wait3A_25 = tpu.memref_slice %arg11[%dma_wait3A] : memref<3200xf32, #tpu.memory_space<vmem>> -> memref<3200xf32, #tpu.memory_space<vmem>>
      %dma_wait3A_26 = arith.constant 0 : i32
      %dma_wait3A_27 = tpu.memref_slice %arg12[%dma_wait3A_26] : memref<3200xi32, #tpu.memory_space<vmem>> -> memref<3200xi32, #tpu.memory_space<vmem>>
      %dma_wait3A_28 = arith.constant 0 : i32
      %dma_wait3A_29 = tpu.memref_slice %arg16[%dma_wait3A_28] : memref<520xf32, #tpu.memory_space<vmem_shared>> -> memref<520xf32, #tpu.memory_space<vmem_shared>>
      tpu.wait_indirect_dma semaphore(%run_scoped3A : memref<!tpu.dma_semaphore, #tpu.memory_space<semaphore_mem>>) src(%dma_wait3A_25 : memref<3200xf32, #tpu.memory_space<vmem>>) dst(%dma_wait3A_29 : memref<520xf32, #tpu.memory_space<vmem_shared>>)
      tpu.yield
    }) : () -> ()
    %barrier3A_14 = arith.constant 0 : index
    tpu.barrier barrier_id(%barrier3A_14)
    %eq3A_15 = arith.constant 0 : i32
    %eq3A_16 = arith.cmpi eq, %arg1, %eq3A_15 : i32
    %convert_element_type3A_17 = arith.extui %eq3A_16 : i1 to i32
    %cond3A_18 = arith.constant 0 : i32
    %cond3A_19 = arith.cmpi ne, %convert_element_type3A_17, %cond3A_18 : i32
    scf.if %cond3A_19 {
      "tpu.region"() ({
        %run_scoped3A = tpu.sem_alloc : memref<!tpu.dma_semaphore, #tpu.memory_space<semaphore_mem>>
        tpu.enqueue_dma source(%arg14 : memref<520xf32, #tpu.memory_space<vmem_shared>>) target(%arg13 : memref<520xf32, #tpu.memory_space<vmem>>) target_semaphore(%run_scoped3A : memref<!tpu.dma_semaphore, #tpu.memory_space<semaphore_mem>>)
        tpu.wait_dma2 semaphore(%run_scoped3A : memref<!tpu.dma_semaphore, #tpu.memory_space<semaphore_mem>>) src(%arg14 : memref<520xf32, #tpu.memory_space<vmem_shared>>) dst(%arg13 : memref<520xf32, #tpu.memory_space<vmem>>)
        tpu.yield
      }) : () -> ()
      %mul3A_20 = arith.constant 3 : i32
      %mul3A_21 = arith.muli %arg0, %mul3A_20 : i32
      %add3A_22 = arith.constant 0 : i32
      %add3A_23 = arith.addi %mul3A_21, %add3A_22 : i32
      %mul3A_24 = arith.constant 520 : i32
      %mul3A_25 = arith.muli %add3A_23, %mul3A_24 : i32
      "tpu.region"() ({
        %run_scoped3A = tpu.sem_alloc : memref<!tpu.dma_semaphore, #tpu.memory_space<semaphore_mem>>
        %dma_start3A = tpu.memref_slice %arg8[%mul3A_25] : memref<3120xf32, #tpu.memory_space<hbm>> -> memref<520xf32, #tpu.memory_space<hbm>>
        %dma_start3A_38 = tpu.memref_slice %arg8[%mul3A_25] : memref<3120xf32, #tpu.memory_space<hbm>> -> memref<520xf32, #tpu.memory_space<hbm>>
        tpu.enqueue_dma source(%arg13 : memref<520xf32, #tpu.memory_space<vmem>>) target(%dma_start3A_38 : memref<520xf32, #tpu.memory_space<hbm>>) target_semaphore(%run_scoped3A : memref<!tpu.dma_semaphore, #tpu.memory_space<semaphore_mem>>)
        %dma_wait3A = tpu.memref_slice %arg8[%mul3A_25] : memref<3120xf32, #tpu.memory_space<hbm>> -> memref<520xf32, #tpu.memory_space<hbm>>
        %dma_wait3A_39 = tpu.memref_slice %arg8[%mul3A_25] : memref<3120xf32, #tpu.memory_space<hbm>> -> memref<520xf32, #tpu.memory_space<hbm>>
        tpu.wait_dma2 semaphore(%run_scoped3A : memref<!tpu.dma_semaphore, #tpu.memory_space<semaphore_mem>>) src(%arg13 : memref<520xf32, #tpu.memory_space<vmem>>) dst(%dma_wait3A_39 : memref<520xf32, #tpu.memory_space<hbm>>)
        tpu.yield
      }) : () -> ()
      "tpu.region"() ({
        %run_scoped3A = tpu.sem_alloc : memref<!tpu.dma_semaphore, #tpu.memory_space<semaphore_mem>>
        tpu.enqueue_dma source(%arg15 : memref<520xf32, #tpu.memory_space<vmem_shared>>) target(%arg13 : memref<520xf32, #tpu.memory_space<vmem>>) target_semaphore(%run_scoped3A : memref<!tpu.dma_semaphore, #tpu.memory_space<semaphore_mem>>)
        tpu.wait_dma2 semaphore(%run_scoped3A : memref<!tpu.dma_semaphore, #tpu.memory_space<semaphore_mem>>) src(%arg15 : memref<520xf32, #tpu.memory_space<vmem_shared>>) dst(%arg13 : memref<520xf32, #tpu.memory_space<vmem>>)
        tpu.yield
      }) : () -> ()
      %mul3A_26 = arith.constant 3 : i32
      %mul3A_27 = arith.muli %arg0, %mul3A_26 : i32
      %add3A_28 = arith.constant 1 : i32
      %add3A_29 = arith.addi %mul3A_27, %add3A_28 : i32
      %mul3A_30 = arith.constant 520 : i32
      %mul3A_31 = arith.muli %add3A_29, %mul3A_30 : i32
      "tpu.region"() ({
        %run_scoped3A = tpu.sem_alloc : memref<!tpu.dma_semaphore, #tpu.memory_space<semaphore_mem>>
        %dma_start3A = tpu.memref_slice %arg8[%mul3A_31] : memref<3120xf32, #tpu.memory_space<hbm>> -> memref<520xf32, #tpu.memory_space<hbm>>
        %dma_start3A_38 = tpu.memref_slice %arg8[%mul3A_31] : memref<3120xf32, #tpu.memory_space<hbm>> -> memref<520xf32, #tpu.memory_space<hbm>>
        tpu.enqueue_dma source(%arg13 : memref<520xf32, #tpu.memory_space<vmem>>) target(%dma_start3A_38 : memref<520xf32, #tpu.memory_space<hbm>>) target_semaphore(%run_scoped3A : memref<!tpu.dma_semaphore, #tpu.memory_space<semaphore_mem>>)
        %dma_wait3A = tpu.memref_slice %arg8[%mul3A_31] : memref<3120xf32, #tpu.memory_space<hbm>> -> memref<520xf32, #tpu.memory_space<hbm>>
        %dma_wait3A_39 = tpu.memref_slice %arg8[%mul3A_31] : memref<3120xf32, #tpu.memory_space<hbm>> -> memref<520xf32, #tpu.memory_space<hbm>>
        tpu.wait_dma2 semaphore(%run_scoped3A : memref<!tpu.dma_semaphore, #tpu.memory_space<semaphore_mem>>) src(%arg13 : memref<520xf32, #tpu.memory_space<vmem>>) dst(%dma_wait3A_39 : memref<520xf32, #tpu.memory_space<hbm>>)
        tpu.yield
      }) : () -> ()
      "tpu.region"() ({
        %run_scoped3A = tpu.sem_alloc : memref<!tpu.dma_semaphore, #tpu.memory_space<semaphore_mem>>
        tpu.enqueue_dma source(%arg16 : memref<520xf32, #tpu.memory_space<vmem_shared>>) target(%arg13 : memref<520xf32, #tpu.memory_space<vmem>>) target_semaphore(%run_scoped3A : memref<!tpu.dma_semaphore, #tpu.memory_space<semaphore_mem>>)
        tpu.wait_dma2 semaphore(%run_scoped3A : memref<!tpu.dma_semaphore, #tpu.memory_space<semaphore_mem>>) src(%arg16 : memref<520xf32, #tpu.memory_space<vmem_shared>>) dst(%arg13 : memref<520xf32, #tpu.memory_space<vmem>>)
        tpu.yield
      }) : () -> ()
      %mul3A_32 = arith.constant 3 : i32
      %mul3A_33 = arith.muli %arg0, %mul3A_32 : i32
      %add3A_34 = arith.constant 2 : i32
      %add3A_35 = arith.addi %mul3A_33, %add3A_34 : i32
      %mul3A_36 = arith.constant 520 : i32
      %mul3A_37 = arith.muli %add3A_35, %mul3A_36 : i32
      "tpu.region"() ({
        %run_scoped3A = tpu.sem_alloc : memref<!tpu.dma_semaphore, #tpu.memory_space<semaphore_mem>>
        %dma_start3A = tpu.memref_slice %arg8[%mul3A_37] : memref<3120xf32, #tpu.memory_space<hbm>> -> memref<520xf32, #tpu.memory_space<hbm>>
        %dma_start3A_38 = tpu.memref_slice %arg8[%mul3A_37] : memref<3120xf32, #tpu.memory_space<hbm>> -> memref<520xf32, #tpu.memory_space<hbm>>
        tpu.enqueue_dma source(%arg13 : memref<520xf32, #tpu.memory_space<vmem>>) target(%dma_start3A_38 : memref<520xf32, #tpu.memory_space<hbm>>) target_semaphore(%run_scoped3A : memref<!tpu.dma_semaphore, #tpu.memory_space<semaphore_mem>>)
        %dma_wait3A = tpu.memref_slice %arg8[%mul3A_37] : memref<3120xf32, #tpu.memory_space<hbm>> -> memref<520xf32, #tpu.memory_space<hbm>>
        %dma_wait3A_39 = tpu.memref_slice %arg8[%mul3A_37] : memref<3120xf32, #tpu.memory_space<hbm>> -> memref<520xf32, #tpu.memory_space<hbm>>
        tpu.wait_dma2 semaphore(%run_scoped3A : memref<!tpu.dma_semaphore, #tpu.memory_space<semaphore_mem>>) src(%arg13 : memref<520xf32, #tpu.memory_space<vmem>>) dst(%dma_wait3A_39 : memref<520xf32, #tpu.memory_space<hbm>>)
        tpu.yield
      }) : () -> ()
    } else {
    }
    return
  }
}

module attributes {stable_mosaic.version = 14 : i64} {
  func.func @_stage1_body(%arg0: i32, %arg1: memref<6400x512xf32, #tpu.memory_space<vmem>>, %arg2: memref<4x512xf32, #tpu.memory_space<vmem>>, %arg3: memref<4x1xf32, #tpu.memory_space<vmem>>, %arg4: memref<1x1x6400xf32, #tpu.memory_space<vmem>>, %arg5: memref<1x1x6400xf32, #tpu.memory_space<vmem>>, %arg6: memref<1x1x6400xf32, #tpu.memory_space<vmem>>) attributes {dimension_semantics = [#tpu.dimension_semantics<arbitrary>], iteration_bounds = array<i64: 16>, scalar_prefetch = 0 : i64, scratch_operands = 0 : i64, tpu.core_type = #tpu.core_type<tc>, window_params = [{transform_indices = @transform_0, window_bounds = array<i64: 6400, 512>}, {pipeline_mode = #tpu.pipeline_mode<synchronous>, transform_indices = @transform_1, window_bounds = array<i64: 4, 512>}, {pipeline_mode = #tpu.pipeline_mode<synchronous>, transform_indices = @transform_2, window_bounds = array<i64: 4, 1>}, {transform_indices = @transform_3, window_bounds = array<i64: 1, 1, 6400>}, {transform_indices = @transform_4, window_bounds = array<i64: 1, 1, 6400>}, {transform_indices = @transform_5, window_bounds = array<i64: 1, 1, 6400>}]} {
    %get3A = arith.constant 0 : index
    %get3A_0 = arith.constant 0 : index
    %get3A_1 = vector.load %arg1[%get3A, %get3A_0] : memref<6400x512xf32, #tpu.memory_space<vmem>>, vector<6400x512xf32>
    %get3A_2 = arith.constant 0 : index
    %get3A_3 = arith.constant 0 : index
    %get3A_4 = vector.load %arg2[%get3A_2, %get3A_3] : memref<4x512xf32, #tpu.memory_space<vmem>>, vector<4x512xf32>
    %dot_general3A = arith.constant dense<0.000000e+00> : vector<4x6400xf32>
    %dot_general3A_5 = tpu.matmul %get3A_4, %get3A_1, %dot_general3A {dimension_numbers = #tpu.dot_dimension_numbers<[1], [1], [0], [0], [0, 0, 1, 0], [], []>, transpose_lhs_hint = false} : vector<4x512xf32>, vector<6400x512xf32>, vector<4x6400xf32> -> vector<4x6400xf32>
    %get3A_6 = arith.constant 0 : index
    %get3A_7 = arith.constant 0 : index
    %get3A_8 = vector.load %arg3[%get3A_6, %get3A_7] : memref<4x1xf32, #tpu.memory_space<vmem>>, vector<4x1xf32>
    %add3A = vector.broadcast %get3A_8 : vector<4x1xf32> to vector<4x6400xf32>
    %add3A_9 = arith.addf %dot_general3A_5, %add3A : vector<4x6400xf32>
    %slice3A = vector.extract_strided_slice %add3A_9 {offsets = [0, 0], sizes = [1, 6400], strides = [1, 1]} : vector<4x6400xf32> to vector<1x6400xf32>
    %exp3A = math.exp %slice3A : vector<1x6400xf32>
    %swap3A = arith.constant 0 : index
    %swap3A_10 = arith.constant 0 : index
    %swap3A_11 = arith.constant 0 : index
    %swap3A_12 = vector.load %arg4[%swap3A, %swap3A_10, %swap3A_11] : memref<1x1x6400xf32, #tpu.memory_space<vmem>>, vector<1x1x6400xf32>
    %swap3A_13 = vector.shape_cast %swap3A_12 : vector<1x1x6400xf32> to vector<1x6400xf32>
    %swap3A_14 = vector.shape_cast %exp3A : vector<1x6400xf32> to vector<1x1x6400xf32>
    tpu.vector_store %arg4[%swap3A, %swap3A_10, %swap3A_11], %swap3A_14 {strides = array<i32>} : memref<1x1x6400xf32, #tpu.memory_space<vmem>>, vector<1x1x6400xf32>,
    %slice3A_15 = vector.extract_strided_slice %add3A_9 {offsets = [1, 0], sizes = [1, 6400], strides = [1, 1]} : vector<4x6400xf32> to vector<1x6400xf32>
    %mul3A = arith.mulf %slice3A_15, %exp3A : vector<1x6400xf32>
    %swap3A_16 = arith.constant 0 : index
    %swap3A_17 = arith.constant 0 : index
    %swap3A_18 = arith.constant 0 : index
    %swap3A_19 = vector.load %arg5[%swap3A_16, %swap3A_17, %swap3A_18] : memref<1x1x6400xf32, #tpu.memory_space<vmem>>, vector<1x1x6400xf32>
    %swap3A_20 = vector.shape_cast %swap3A_19 : vector<1x1x6400xf32> to vector<1x6400xf32>
    %swap3A_21 = vector.shape_cast %mul3A : vector<1x6400xf32> to vector<1x1x6400xf32>
    tpu.vector_store %arg5[%swap3A_16, %swap3A_17, %swap3A_18], %swap3A_21 {strides = array<i32>} : memref<1x1x6400xf32, #tpu.memory_space<vmem>>, vector<1x1x6400xf32>,
    %slice3A_22 = vector.extract_strided_slice %add3A_9 {offsets = [2, 0], sizes = [1, 6400], strides = [1, 1]} : vector<4x6400xf32> to vector<1x6400xf32>
    %mul3A_23 = arith.mulf %slice3A_22, %exp3A : vector<1x6400xf32>
    %swap3A_24 = arith.constant 0 : index
    %swap3A_25 = arith.constant 0 : index
    %swap3A_26 = arith.constant 0 : index
    %swap3A_27 = vector.load %arg6[%swap3A_24, %swap3A_25, %swap3A_26] : memref<1x1x6400xf32, #tpu.memory_space<vmem>>, vector<1x1x6400xf32>
    %swap3A_28 = vector.shape_cast %swap3A_27 : vector<1x1x6400xf32> to vector<1x6400xf32>
    %swap3A_29 = vector.shape_cast %mul3A_23 : vector<1x6400xf32> to vector<1x1x6400xf32>
    tpu.vector_store %arg6[%swap3A_24, %swap3A_25, %swap3A_26], %swap3A_29 {strides = array<i32>} : memref<1x1x6400xf32, #tpu.memory_space<vmem>>, vector<1x1x6400xf32>,
    return
  }
  func.func @transform_0(%arg0: i32) -> (i32, i32) {
    %min3A = arith.constant 15 : i32
    %min3A_0 = arith.minsi %arg0, %min3A : i32
    %c0_i32 = arith.constant 0 : i32
    %c0_i32_1 = arith.constant 0 : i32
    return %min3A_0, %c0_i32 : i32, i32
  }
  func.func @transform_1(%arg0: i32) -> (i32, i32) {
    %c0_i32 = arith.constant 0 : i32
    %c0_i32_0 = arith.constant 0 : i32
    %c0_i32_1 = arith.constant 0 : i32
    return %c0_i32, %c0_i32_0 : i32, i32
  }
  func.func @transform_2(%arg0: i32) -> (i32, i32) {
    %c0_i32 = arith.constant 0 : i32
    %c0_i32_0 = arith.constant 0 : i32
    %c0_i32_1 = arith.constant 0 : i32
    return %c0_i32, %c0_i32_0 : i32, i32
  }
  func.func @transform_3(%arg0: i32) -> (i32, i32, i32) {
    %c0_i32 = arith.constant 0 : i32
    %c0_i32_0 = arith.constant 0 : i32
    %c0_i32_1 = arith.constant 0 : i32
    return %arg0, %c0_i32, %c0_i32_0 : i32, i32, i32
  }
  func.func @transform_4(%arg0: i32) -> (i32, i32, i32) {
    %c0_i32 = arith.constant 0 : i32
    %c0_i32_0 = arith.constant 0 : i32
    %c0_i32_1 = arith.constant 0 : i32
    return %arg0, %c0_i32, %c0_i32_0 : i32, i32, i32
  }
  func.func @transform_5(%arg0: i32) -> (i32, i32, i32) {
    %c0_i32 = arith.constant 0 : i32
    %c0_i32_0 = arith.constant 0 : i32
    %c0_i32_1 = arith.constant 0 : i32
    return %arg0, %c0_i32, %c0_i32_0 : i32, i32, i32
  }
}

module attributes {stable_mosaic.version = 14 : i64} {
  func.func @_stage3_body(%arg0: memref<2x3x520xf32, #tpu.memory_space<vmem>>, %arg1: memref<512x2xf32, #tpu.memory_space<vmem>>) attributes {dimension_semantics = [], scalar_prefetch = 0 : i64, scratch_operands = 0 : i64, tpu.core_type = #tpu.core_type<tc>} {
    %get3A = arith.constant 0 : index
    %get3A_0 = arith.constant 0 : index
    %get3A_1 = arith.constant 0 : index
    %get3A_2 = vector.load %arg0[%get3A, %get3A_0, %get3A_1] : memref<2x3x520xf32, #tpu.memory_space<vmem>>, vector<1x3x520xf32>
    %get3A_3 = vector.shape_cast %get3A_2 : vector<1x3x520xf32> to vector<3x520xf32>
    %get3A_4 = arith.constant 1 : index
    %get3A_5 = arith.constant 0 : index
    %get3A_6 = arith.constant 0 : index
    %get3A_7 = vector.load %arg0[%get3A_4, %get3A_5, %get3A_6] : memref<2x3x520xf32, #tpu.memory_space<vmem>>, vector<1x3x520xf32>
    %get3A_8 = vector.shape_cast %get3A_7 : vector<1x3x520xf32> to vector<3x520xf32>
    %add3A = arith.addf %get3A_3, %get3A_8 : vector<3x520xf32>
    %slice3A = vector.extract_strided_slice %add3A {offsets = [1, 0], sizes = [2, 512], strides = [1, 1]} : vector<3x520xf32> to vector<2x512xf32>
    %slice3A_9 = vector.extract_strided_slice %add3A {offsets = [0, 0], sizes = [1, 512], strides = [1, 1]} : vector<3x520xf32> to vector<1x512xf32>
    %add3A_10 = arith.constant 1.000000e-16 : f32
    %add3A_11 = vector.broadcast %add3A_10 : f32 to vector<1x512xf32>
    %add3A_12 = arith.addf %slice3A_9, %add3A_11 : vector<1x512xf32>
    %div3A = vector.broadcast %add3A_12 : vector<1x512xf32> to vector<2x512xf32>
    %div3A_13 = arith.divf %slice3A, %div3A : vector<2x512xf32>
    %iota3A = tpu.iota {dimensions = array<i32: 0>} : vector<2x2xi32>
    %iota3A_14 = tpu.iota {dimensions = array<i32: 1>} : vector<2x2xi32>
    %eq3A = arith.cmpi eq, %iota3A, %iota3A_14 : vector<2x2xi32>
    %convert_element_type3A = arith.extui %eq3A : vector<2x2xi1> to vector<2x2xi32>
    %convert_element_type3A_15 = arith.sitofp %convert_element_type3A : vector<2x2xi32> to vector<2x2xf32>
    %dot_general3A = arith.constant dense<0.000000e+00> : vector<512x2xf32>
    %dot_general3A_16 = tpu.matmul %div3A_13, %convert_element_type3A_15, %dot_general3A {dimension_numbers = #tpu.dot_dimension_numbers<[0], [0], [1], [1], [0, 1, 1, 1], [], []>, transpose_lhs_hint = false} : vector<2x512xf32>, vector<2x2xf32>, vector<512x2xf32> -> vector<512x2xf32>
    %swap3A = arith.constant 0 : index
    %swap3A_17 = arith.constant 0 : index
    %swap3A_18 = vector.load %arg1[%swap3A, %swap3A_17] : memref<512x2xf32, #tpu.memory_space<vmem>>, vector<512x2xf32>
    tpu.vector_store %arg1[%swap3A, %swap3A_17], %dot_general3A_16 {strides = array<i32>} : memref<512x2xf32, #tpu.memory_space<vmem>>, vector<512x2xf32>,
    return
  }
}

</mosaic_0001>

<sc_bundles>
// kernel: kernel.5.cloned.1.call-start
scs
__scs_entry_jumppad:
0x0: {  	(pc) =	sbr.rel $0x88, $3  }
0x1: {  	(tag) =	ssettag $0x0;
	lr =	simm.s32 $0x1  }
0x2: {  	[smem:$0x3F9B] =	sst lr;
	_ =	strace $0xD0000000  }
0x3: {  	_ = 	snop  }
0x4: {  	_ = 	snop  }
0x5: {  	_ = 	snop  }
0x6: {  	_ = 	snop  }
0x7: {  	_ = 	snop  }
__scs_overlays_trampoline_lowered:
0x8: {  	[smem:$0x3FAA] =	sst s0  }
0x9: {  	[smem:$0x3FAB] =	sst s1  }
0xa: {  	[smem:$0x3FAC] =	sst s2  }
0xb: {  	[smem:$0x3FAD] =	sst s3  }
0xc: {  	[smem:$0x3FAE] =	sst s4  }
0xd: {  	[smem:$0x3FAF] =	sst s5  }
0xe: {  	[smem:$0x3FB0] =	sst s6  }
0xf: {  	[smem:$0x3FB1] =	sst s7  }
0x10: {  	[smem:$0x3FB2] =	sst s8  }
0x11: {  	[smem:$0x3FB3] =	sst s9;
	s0 =	simm.s32 @!p0 $0x0  }
0x12: {  	s1 =	sld [smem:$0x3F99];
	s0 =	simm.s32 @p0 $0x1  }
0x13: {  	[smem:$0x3FB4] =	sst s0;
	s0 =	simm.s32 @!p1 $0x0  }
0x14: {  	s2 =	sld [smem:$0x3F98];
	s0 =	simm.s32 @p1 $0x1  }
0x15: {  	[smem:$0x3FB5] =	sst s0;
	s0 =	simm.s32 @!p2 $0x0  }
0x16: {  	s3 =	sld [smem:$0x3FDB];
	s0 =	simm.s32 @p2 $0x1  }
0x17: {  	s4 =	simm.s32 $0x1BF5;
	[smem:$0x3FB7] =	sst s0  }
0x18: {  	s0 =	sld [smem:$0x3F9A];
	_ =	swait.ge [sflag:s4], $0x0  }
0x19: {  	s7 =	sld [smem:$0x3F9B]  }
0x1a: {  	s8 =	sadd.s32 $0xFFFFE003, lr  }
0x1b: {  	s9 =	sadd.s32 $0xFFFFFEF7, lr;
	s5 =	simm.s32 $0xFFFFFFFF;
	p2 =	slt.u32 s8, $0xFFFFF086  }
0x1c: {  	p1 =	slt.u32 s9, $0xF7A;
	s5 =	simm.s32 @!p2 $0x0  }
0x1d: {  	s5 =	simm.s32 @p1 $0x1;
	p0 =	seq.s32 s7, s2  }
0x1e: {  	s7 =	smul.u32 @!p0 $0xF7A, s2;
	p2 =	seq.s32 @!p0 s5, $0x0  }
0x1f: {  	s9 =	smul.u32 $0xF7A, s1;
	s8 =	simm.s32 @!p0 $0x1BF5;
	p2 =	por !p2, p0  }
0x20: {  	[sflag:s8] =	ssyncset.s32 @!p0 $0xFFFFF086;
	s6 =	sadd.s32 @!p0 s3, s7;
	s7 =	simm.s32 @!p0 $0x108  }
0x21: {  	s3 =	sadd.s32 s3, s9;
	s6 =	sadd.s32 @!p0 $0x88, s6;
	s7 =	simm.s32 @p2 $0x1082  }
0x22: {  	[simem:s7], [sflag:s8] =	dma.local @!p0 [hbm:s6], $0xF7A  }
0x23: {  	s9 =	sor.u32 $0xD0000000, s2;
	s6 =	simm.s32 $0x108;
	_ =	swait.ge @!p0 [sflag:s8], $0x0  }
0x24: {  	s3 =	sadd.s32 $0x88, s3;
	s6 =	simm.s32 @!p1 $0x1082;
	[sflag:s4] =	ssyncset.s32 $0xFFFFF086  }
0x25: {  	[simem:s6], [sflag:s4] =	dma.local [hbm:s3], $0xF7A  }
0x26: {  	[smem:$0x3F9B] =	sst s1;
	(tag) =	ssettag s2;
	_ =	strace s9  }
0x27: {  	s1 =	sld [smem:$0x3FAB]  }
0x28: {  	s2 =	sld [smem:$0x3FAC]  }
0x29: {  	s4 =	sld [smem:$0x3FAE]  }
0x2a: {  	p0 =	seq.s32 s5, $0x0;
	s5 =	sld [smem:$0x3FAF]  }
0x2b: {  	s6 =	sld [smem:$0x3FB0]  }
0x2c: {  	s7 =	sld [smem:$0x3FB1]  }
0x2d: {  	s3 =	simm.s32 $0x108;
	s8 =	sld [smem:$0x3FB2]  }
0x2e: {  	s3 =	simm.s32 @!p0 $0x1082;
	s9 =	sld [smem:$0x3FB3]  }
0x2f: {  	lr =	sadd.s32 s0, s3;
	s0 =	sld [smem:$0x3FAA]  }
0x30: {  	s3 =	sld [smem:$0x3FAD]  }
0x31: {  	[smem:$0x3FB6] =	sst s10  }
0x32: {  	s10 =	sld [smem:$0x3FB4];
	_ =	sdelay $0x3  }
0x33: {  	p0 =	seq.s32 s10, $0x1;
	s10 =	sld [smem:$0x3FB6];
	_ =	sdelay $0x3  }
0x34: {  	[smem:$0x3FB6] =	sst s10  }
0x35: {  	s10 =	sld [smem:$0x3FB5];
	_ =	sdelay $0x3  }
0x36: {  	p1 =	seq.s32 s10, $0x1;
	s10 =	sld [smem:$0x3FB6];
	_ =	sdelay $0x3  }
0x37: {  	[smem:$0x3FB6] =	sst s10  }
0x38: {  	s10 =	sld [smem:$0x3FB7]  }
0x39: {  	_ = 	snop;
	(pc) =	sbr.ind lr, $3  }
0x3a: {  	_ = 	snop  }
0x3b: {  	_ = 	snop  }
0x3c: {  	p2 =	seq.s32 s10, $0x1;
	s10 =	sld [smem:$0x3FB6]  }
0x3d: {  	_ =	shalt  }
0x3e: {  	_ =	shalt  }
0x3f: {  	_ =	shalt  }
0x40: {  	_ =	shalt  }
0x41: {  	_ =	shalt  }
0x42: {  	_ =	shalt  }
0x43: {  	_ =	shalt  }
0x44: {  	_ =	shalt  }
0x45: {  	_ =	shalt  }
0x46: {  	_ =	shalt  }
0x47: {  	_ =	shalt  }
0x48: {  	_ =	shalt  }
0x49: {  	_ =	shalt  }
0x4a: {  	_ =	shalt  }
0x4b: {  	_ =	shalt  }
0x4c: {  	_ =	shalt  }
0x4d: {  	_ =	shalt  }
0x4e: {  	_ =	shalt  }
0x4f: {  	_ =	shalt  }
0x50: {  	_ =	shalt  }
0x51: {  	_ =	shalt  }
0x52: {  	_ =	shalt  }
0x53: {  	_ =	shalt  }
0x54: {  	_ =	shalt  }
0x55: {  	_ =	shalt  }
0x56: {  	_ =	shalt  }
0x57: {  	_ =	shalt  }
0x58: {  	_ =	shalt  }
0x59: {  	_ =	shalt  }
0x5a: {  	_ =	shalt  }
0x5b: {  	_ =	shalt  }
0x5c: {  	_ =	shalt  }
0x5d: {  	_ =	shalt  }
0x5e: {  	_ =	shalt  }
0x5f: {  	_ =	shalt  }
0x60: {  	_ =	shalt  }
0x61: {  	_ =	shalt  }
0x62: {  	_ =	shalt  }
0x63: {  	_ =	shalt  }
0x64: {  	_ =	shalt  }
0x65: {  	_ =	shalt  }
0x66: {  	_ =	shalt  }
0x67: {  	_ =	shalt  }
0x68: {  	_ =	shalt  }
0x69: {  	_ =	shalt  }
0x6a: {  	_ =	shalt  }
0x6b: {  	_ =	shalt  }
0x6c: {  	_ =	shalt  }
0x6d: {  	_ =	shalt  }
0x6e: {  	_ =	shalt  }
0x6f: {  	_ =	shalt  }
0x70: {  	_ =	shalt  }
0x71: {  	_ =	shalt  }
0x72: {  	_ =	shalt  }
0x73: {  	_ =	shalt  }
0x74: {  	_ =	shalt  }
0x75: {  	_ =	shalt  }
0x76: {  	_ =	shalt  }
0x77: {  	_ =	shalt  }
0x78: {  	_ =	shalt  }
0x79: {  	_ =	shalt  }
0x7a: {  	_ =	shalt  }
0x7b: {  	_ =	shalt  }
0x7c: {  	_ =	shalt  }
0x7d: {  	_ =	shalt  }
0x7e: {  	_ =	shalt  }
0x7f: {  	_ =	shalt  }
0x80: {  	_ =	shalt  }
0x81: {  	_ =	shalt  }
0x82: {  	_ =	shalt  }
0x83: {  	_ =	shalt  }
0x84: {  	_ =	shalt  }
0x85: {  	_ =	shalt  }
0x86: {  	_ =	shalt  }
0x87: {  	_ =	shalt  }
.Lfunc_end0:
.L_simem_size_0:
called_computation_lowered:
.L_overlay_start_0:
0x88: {  	s2 =	sld [smem:$0x3FD9]  }
0x89: {  	s3 =	sld [smem:$0x3FFE];
	_ =	sdelay $0x1  }
0x8a: {  	s1 =	srdreg.scid  }
0x8b: {  	s0 =	sand.u32 $0x1, s1  }
0x8c: {  	s17 =	sshll.u32 s0, $0xA;
	s2 =	sadd.s32 s3, s2  }
0x8d: {  	s2 =	sadd.s32 s2, s17  }
0x8e: {  	[smem:$0x3FC2] =	sst s2  }
0x8f: {  	_ = 	snop  }
0x90: {  	s2 =	sld [smem:$0x3FC8]  }
0x91: {  	s18 =	sld [smem:$0x3FD0];
	(tm) =	ssettm $0x1  }
0x92: {  	s4 =	sld [smem:$0x3FFB];
	_ =	sdelay $0x3  }
0x93: {  	_ =	strace s4  }
0x94: {  	s4 =	sld [smem:$0x3FFC];
	_ =	sdelay $0x3  }
0x95: {  	_ =	strace s4  }
0x96: {  	s4 =	sld [smem:$0x3FFD];
	_ =	sdelay $0x3  }
0x97: {  	_ =	strace s4  }
0x98: {  	_ =	strace $0x8FFFFFFF  }
0x99: {  	s19 =	sld [smem:$0x3FDB];
	_ =	sdelay $0x1  }
0x9a: {  	s5 =	simm.s32 $_scs_section_size  }
0x9b: {  	s6 =	simm.s32 $_size__tile_overlayer_lowered;
	s7 =	simm.s32 $_tile_overlayer_lowered  }
0x9c: {  	s22 =	simm.s32 $0x1BFF;
	s21 =	sshll.u32 s7, $0x1;
	s4 =	sadd.s32 s5, s19  }
0x9d: {  	s8 =	simm.s32 $0x0;
	s20 =	sshll.u32 s6, $0x1;
	s6 =	sadd.s32 s21, s4  }
0x9e: {  	[timem:s8], [sflag:s22] =	dma.local [hbm:s6], s20  }
0x9f: {  	_ =	swait.ge [sflag:s22], s20  }
0xa0: {  	s5 =	ssub.s32 $0x0, s20;
	[sflag:s22] =	ssyncset.done $0x0  }
0xa1: {  	[sflag:s22] =	ssyncadd.s32 s5;
	_ =	sdelay $0x1  }
0xa2: {  	s23 =	simm.s32 $0x1B8B  }
0xa3: {  	_ =	swait.ge [sflag:s23], $0x1  }
0xa4: {  	[sflag:s23] =	ssyncset.done $0x0  }
0xa5: {  	s25 =	simm.s32 $0x1B8E;
	s24 =	sld [smem:$0x3FFE];
	[sflag:s23] =	ssyncadd.s32 $0xFFFFFFFF  }
0xa6: {  	s26 =	simm.s32 $execute0_lowered;
	[smem:$0x3FD2] =	sst s25  }
0xa7: {  	s6 =	sshll.u32 s26, $0x1;
	_ =	strace $0x80000046;
	[dreg:$0x1] =	wrdreg $0xFFFFFFFF  }
0xa8: {  	s28 =	simm.s32 $_size_execute0_lowered;
	s4 =	sadd.s32 s4, s6;
	[dreg:$0x0] =	wrdreg $0x0  }
0xa9: {  	s6 =	sshll.u32 s28, $0x1;
	[dreg:$0x2] =	wrdreg s4  }
0xaa: {  	[dreg:$0x3] =	wrdreg s6  }
0xab: {  	[dreg:$0x4] =	wrdreg $0xC0  }
0xac: {  	_ =	task [dreg:s8], $0x5FFFF  }
0xad: {  	[dreg:$0x1] =	wrdreg $0xFFFFFFFF  }
0xae: {  	[dreg:$0x0] =	wrdreg $0x60  }
0xaf: {  	[dreg:$0x2] =	wrdreg s24  }
0xb0: {  	[dreg:$0x3] =	wrdreg s2  }
0xb1: {  	[dreg:$0x4] =	wrdreg s18  }
0xb2: {  	[dreg:$0x5] =	wrdreg $0x34800  }
0xb3: {  	[dreg:$0x6] =	wrdreg $0x34A80  }
0xb4: {  	[dreg:$0x7] =	wrdreg $0x34D00  }
0xb5: {  	[dreg:$0x8] =	wrdreg $0x9  }
0xb6: {  	_ =	task.clear_ibuf [dreg:s8], $0x9FFFF;
	_ =	strace $0x90000046  }
0xb7: {  	s29 =	simm.s32 $0x9;
	_ =	strace $0x80000048  }
0xb8: {  	_ =	swait.ge [sflag:s29], $0x1  }
0xb9: {  	[sflag:s29] =	ssyncadd.s32 $0xFFFFFFFF  }
0xba: {  	_ =	strace $0x90000048  }
0xbb: {  	_ =	sfence  }
0xbc: {  	s30 =	sld [smem:$0x0];
	_ =	sdelay $0x2  }
0xbd: {  	s31 =	sshll.u32 s1, $0xD;
	s1 =	sshrl.u32 s1, $0x2  }
0xbe: {  	s3 =	sand.u32 $0x4000, s31;
	s1 =	sadd.s32 s1, s30  }
0xbf: {  	s0 =	sor.u32 s3, s0;
	s1 =	sshll.u32 s1, $0x11  }
0xc0: {  	s0 =	sor.u32 s1, s0  }
0xc1: {  	s0 =	sadd.s32 $0x8F2B, s0  }
0xc2: {  	[sflag:s0] =	ssyncadd.remote.s32 $0x1  }
0xc3: {  	_ =	sfence.sel $0xFFFF  }
0xc4: {  	[dreg:$0x0] =	wrdreg $0xFFFFFFFF;
	(pc) =	sbr.abs _section_cstart, $3  }
0xc5: {  	[dreg:$0x1] =	wrdreg $0xFFFFFFFF  }
0xc6: {  	_ =	task.clear_ibuf [dreg:s8], $0x2FFFF;
	_ =	strace $0x9FFFFFFF  }
0xc7: {  	(tm) =	ssettm $0x7FFFFFFF  }
tec
execute0_lowered:
.L_overlay_start_1:
0x0: {  	(tag) =	ssettag $0x1  }
0x1: {  	s0 =	rddreg [dreg:$0x0]  }
0x2: {  	s4 =	rddreg [dreg:$0x1]  }
0x3: {  	s18 =	rddreg [dreg:$0x2];
	s1 =	srdreg.scid  }
0x4: {  	s3 =	rddreg [dreg:$0x3];
	s6 =	stileid.u32;
	s5 =	sand.u32 $0x1, s1  }
0x5: {  	s2 =	rddreg [dreg:$0x4];
	s7 =	sshll.u32 s6, $0x1;
	s14 =	smul.u32 $0x618, s5  }
0x6: {  	s8 =	sor.u32 s5, s7;
	s12 =	ssub.s32 $0x2, s5;
	s5 =	smul.u32 $0xC3, s5  }
0x7: {  	s11 =	sadd.s32 $0xA200, s0;
	s9 =	smul.u32 $0x190, s8;
	s13 =	sshrl.u32 s12, $0x1  }
0x8: {  	s13 =	ssub.s32 s12, s13;
	s28 =	sadd.s32 $0x208, s14;
	s29 =	sshrl.u32 s14, $0x3  }
0x9: {  	s10 =	sadd.s32 s9, s0;
	s0 =	sadd.s32 $0xA400, s0;
	s12 =	sadd.s32 s4, s9  }
0xa: {  	s30 =	sshrl.u32 s28, $0x3;
	s31 =	smax.u32 s13, $0x1;
	s20 =	sadd.s32 $0xC00, s10  }
0xb: {  	s19 =	sadd.s32 $0x3E00, s10;
	s17 =	sadd.s32 $0x7000, s10;
	s10 =	sadd.s32 s0, s29  }
0xc: {  	s9 =	sadd.s32 s0, s5;
	s5 =	sadd.s32 s0, s30;
	s0 =	sadd.s32 $0xFFFFFFFF, s31  }
0xd: {  	s21 =	rddreg [dreg:$0x6];
	s15 =	simm.s32 $0x2580;
	p3 =	sne.s32 s0, $0x0  }
.Ltmp0:
0xe: {  	p2 =	por $0x0, $0x0;
	s1 =	rddreg [dreg:$0x5];
	(pc) =	sbr.rel @!p3 .LBB2_1-.Ltmp0, $4  }
0xf: {  	s16 =	sadd.s32 $0x3070, s4;
	p0 =	sne.s32 s6, $0x0;
	s7 =	simm.s32 $0x0  }
0x10: {  	s6 =	simm.s32 @!p0 $0x1;
	[smem:$0x7FF] =	sst s7;
	p1 =	seq.s32 s8, $0x1F  }
0x11: {  	s8 =	simm.s32 @!p0 $0x0;
	_ =	strace $0x80000047;
	s14 =	simm.s32 $0x1900  }
0x12: {  	s13 =	simm.s32 $0xC80;
	s4 =	sadd.s32 $0x82, s10;
	s10 =	simm.s32 $0x1  }
0x13: {  	s21 =	simm.s32 @!p0 $0x3200  }
0x14: {  	[tilespmem:s21], [sflag:$0x1] =	stream.linear.gather @!p0 [hbm4b:s18+s8], $0x280, $0x38;
	[tilespmem:$0x34F8] =	vst v63  }
0x15: {  	_ =	swait.ge @!p0 [sflag:s6], $0x280  }
0x16: {  	[sflag:s6] =	ssyncset.done @!p0 $0x0  }
0x17: {  	[sflag:s6] =	ssyncadd.s32 @!p0 $0xFFFFFD80  }
0x18: {  	[spmem:s3] =	stream.linear.scatter @!p0 [tilespmem:s21], [sflag:$0x1], $0x280, $0x38;
	[tilespmem:$0x34F8] =	vst v63  }
0x19: {  	_ =	swait.ge @!p0 [sflag:s6], $0x280  }
0x1a: {  	[sflag:s6] =	ssyncset.done @!p0 $0x0  }
0x1b: {  	[sflag:s6] =	ssyncadd.s32 @!p0 $0xFFFFFD80  }
0x1c: {  	[spmem:s2] =	stream.linear.scatter @!p0 [tilespmem:s21], [sflag:$0x1], $0x280, $0x38;
	[tilespmem:$0x34F8] =	vst v63  }
0x1d: {  	_ =	swait.ge @!p0 [sflag:s6], $0x280  }
0x1e: {  	[sflag:s6] =	ssyncset.done @!p0 $0x0  }
0x1f: {  	[sflag:s6] =	ssyncadd.s32 @!p0 $0xFFFFFD80  }
0x20: {  	[spmem:s1] =	stream.linear.scatter @!p0 [tilespmem:s21], [sflag:$0x1], $0x280, $0x38;
	[tilespmem:$0x34F8] =	vst v63  }
0x21: {  	_ =	swait.ge @!p0 [sflag:s6], $0x280  }
0x22: {  	[sflag:s6] =	ssyncset.done @!p0 $0x0  }
0x23: {  	[sflag:s6] =	ssyncadd.s32 @!p0 $0xFFFFFD80  }
0x24: {  	[bflag:$0x0] =	sbarrier.arrive $0xFFFF  }
0x25: {  	[tilespmem:s7], [sflag:$0x1] =	stream.linear.gather [hbm4b:s20+s7], $0xC80, $0x38;
	[tilespmem:$0x34F8] =	vst v63  }
0x26: {  	_ =	swait.ge [sflag:s10], $0xC80  }
0x27: {  	[sflag:s10] =	ssyncset.done $0x0  }
0x28: {  	[sflag:s10] =	ssyncadd.s32 $0xFFFFF380  }
0x29: {  	[tilespmem:s13], [sflag:$0x1] =	stream.linear.gather [hbm4b:s19+s7], $0xC80, $0x38;
	[tilespmem:$0x34F8] =	vst v63  }
0x2a: {  	_ =	swait.ge [sflag:s10], $0xC80  }
0x2b: {  	[sflag:s10] =	ssyncset.done $0x0  }
0x2c: {  	[sflag:s10] =	ssyncadd.s32 $0xFFFFF380  }
0x2d: {  	[tilespmem:s14], [sflag:$0x1] =	stream.linear.gather [hbm4b:s17+s7], $0xC80, $0x38;
	[tilespmem:$0x34F8] =	vst v63  }
0x2e: {  	_ =	swait.ge [sflag:s10], $0xC80  }
0x2f: {  	s22 =	simm.s32 @p1 $0x1;
	[sflag:s10] =	ssyncset.done $0x0  }
0x30: {  	s23 =	simm.s32 @p1 $0x0;
	s24 =	simm.s32 @p1 $0x2580;
	[sflag:s10] =	ssyncadd.s32 $0xFFFFF380  }
0x31: {  	[tilespmem:s24], [sflag:$0x1] =	stream.linear.gather @p1 [hbm4b:s16+s23], $0x320, $0x38;
	[tilespmem:$0x34F8] =	vst v63  }
0x32: {  	_ =	swait.ge @p1 [sflag:s22], $0x320  }
0x33: {  	[sflag:s22] =	ssyncset.done @p1 $0x0  }
0x34: {  	s25 =	simm.s32 @p1 $0x28A0;
	[sflag:s22] =	ssyncadd.s32 @p1 $0xFFFFFCE0  }
0x35: {  	[tilespmem:s25], [sflag:$0x1] =	stream.linear.gather @p1 [hbm4b:s11+s23], $0x960, $0x38;
	[tilespmem:$0x34F8] =	vst v63  }
0x36: {  	_ =	swait.ge @p1 [sflag:s22], $0x960  }
0x37: {  	s26 =	simm.s32 @!p1 $0x1;
	[sflag:s22] =	ssyncset.done @p1 $0x0  }
0x38: {  	s28 =	simm.s32 @!p1 $0x0;
	s29 =	simm.s32 @!p1 $0x2580;
	[sflag:s22] =	ssyncadd.s32 @p1 $0xFFFFF6A0  }
0x39: {  	[tilespmem:s29], [sflag:$0x1] =	stream.linear.gather @!p1 [hbm4b:s12+s28], $0xC80, $0x38;
	[tilespmem:$0x34F8] =	vst v63  }
0x3a: {  	_ =	swait.ge @!p1 [sflag:s26], $0xC80  }
0x3b: {  	[sflag:s26] =	ssyncset.done @!p1 $0x0  }
0x3c: {  	[sflag:s26] =	ssyncadd.s32 @!p1 $0xFFFFF380  }
0x3d: {  	[spmem:s3] =	stream.indirect.scatter.add.f32 [tilespmem:s7], [sflag:$0x1], $0x1, s15, s13, $0xb8;
	[tilespmem:$0x34F8] =	vst v63  }
0x3e: {  	_ =	swait.ge [sflag:s10], $0xC80  }
0x3f: {  	[sflag:s10] =	ssyncset.done $0x0  }
0x40: {  	[sflag:s10] =	ssyncadd.s32 $0xFFFFF380  }
0x41: {  	[spmem:s2] =	stream.indirect.scatter.add.f32 [tilespmem:s13], [sflag:$0x1], $0x1, s15, s13, $0xb8;
	[tilespmem:$0x34F8] =	vst v63  }
0x42: {  	_ =	swait.ge [sflag:s10], $0xC80  }
0x43: {  	[sflag:s10] =	ssyncset.done $0x0  }
0x44: {  	[sflag:s10] =	ssyncadd.s32 $0xFFFFF380  }
0x45: {  	[spmem:s1] =	stream.indirect.scatter.add.f32 [tilespmem:s14], [sflag:$0x1], $0x1, s15, s13, $0xb8;
	[tilespmem:$0x34F8] =	vst v63  }
0x46: {  	_ =	swait.ge [sflag:s10], $0xC80  }
0x47: {  	[sflag:s10] =	ssyncset.done $0x0  }
0x48: {  	[sflag:s10] =	ssyncadd.s32 $0xFFFFF380  }
0x49: {  	[bflag:$0x0] =	sbarrier.arrive $0xFFFF  }
0x4a: {  	[tilespmem:s21], [sflag:$0x1] =	stream.linear.gather @!p0 [spmem:s3], $0x280, $0x38;
	[tilespmem:$0x34F8] =	vst v63  }
0x4b: {  	_ =	swait.ge @!p0 [sflag:s6], $0x280  }
0x4c: {  	[sflag:s6] =	ssyncset.done @!p0 $0x0  }
0x4d: {  	[sflag:s6] =	ssyncadd.s32 @!p0 $0xFFFFFD80  }
0x4e: {  	[hbm4b:s9+s8] =	stream.linear.scatter @!p0 [tilespmem:s21], [sflag:$0x1], $0x208, $0x38;
	[tilespmem:$0x34F8] =	vst v63  }
0x4f: {  	_ =	swait.ge @!p0 [sflag:s6], $0x208  }
0x50: {  	[sflag:s6] =	ssyncset.done @!p0 $0x0  }
0x51: {  	[sflag:s6] =	ssyncadd.s32 @!p0 $0xFFFFFDF8  }
0x52: {  	[tilespmem:s21], [sflag:$0x1] =	stream.linear.gather @!p0 [spmem:s2], $0x280, $0x38;
	[tilespmem:$0x34F8] =	vst v63  }
0x53: {  	_ =	swait.ge @!p0 [sflag:s6], $0x280  }
0x54: {  	[sflag:s6] =	ssyncset.done @!p0 $0x0  }
0x55: {  	[sflag:s6] =	ssyncadd.s32 @!p0 $0xFFFFFD80  }
0x56: {  	[hbm4b:s5+s8] =	stream.linear.scatter @!p0 [tilespmem:s21], [sflag:$0x1], $0x208, $0x38;
	[tilespmem:$0x34F8] =	vst v63  }
0x57: {  	_ =	swait.ge @!p0 [sflag:s6], $0x208  }
0x58: {  	[sflag:s6] =	ssyncset.done @!p0 $0x0  }
0x59: {  	s30 =	sadd.s32 $0xFFFFFFFF, s0;
	[sflag:s6] =	ssyncadd.s32 @!p0 $0xFFFFFDF8  }
0x5a: {  	[tilespmem:s21], [sflag:$0x1] =	stream.linear.gather @!p0 [spmem:s1], $0x280, $0x38;
	[tilespmem:$0x34F8] =	vst v63  }
0x5b: {  	p3 =	sne.s32 s30, $0x0;
	_ =	swait.ge @!p0 [sflag:s6], $0x280  }
.Ltmp1:
0x5c: {  	[sflag:s6] =	ssyncset.done @!p0 $0x0;
	(pc) =	sbr.rel @!p3 .LBB2_3-.Ltmp1, $4  }
0x5d: {  	[sflag:s6] =	ssyncadd.s32 @!p0 $0xFFFFFD80  }
0x5e: {  	[hbm4b:s4+s8] =	stream.linear.scatter @!p0 [tilespmem:s21], [sflag:$0x1], $0x208, $0x38;
	[tilespmem:$0x34F8] =	vst v63  }
0x5f: {  	_ =	swait.ge @!p0 [sflag:s6], $0x208  }
0x60: {  	p2 =	por $0x1, $0x1;
	s31 =	simm.s32 @!p0 $0x1;
	[sflag:s6] =	ssyncset.done @!p0 $0x0  }
.LBB2_4:
0x61: {  	s0 =	simm.s32 @!p0 $0x0;
	[sflag:s31] =	ssyncadd.s32 @!p0 $0xFFFFFDF8  }
0x62: {  	[tilespmem:s21], [sflag:$0x1] =	stream.linear.gather @!p0 [hbm4b:s18+s8], $0x280, $0x38;
	[tilespmem:$0x34F8] =	vst v63  }
0x63: {  	s30 =	sadd.s32 $0xFFFFFFFF, s30;
	s31 =	smov.u32 s6;
	_ =	swait.ge @!p0 [sflag:s6], $0x280  }
0x64: {  	p3 =	sne.s32 s30, $0x0;
	[sflag:s31] =	ssyncset.done @!p0 $0x0  }
0x65: {  	[sflag:s31] =	ssyncadd.s32 @!p0 $0xFFFFFD80  }
0x66: {  	[spmem:s3] =	stream.linear.scatter @!p0 [tilespmem:s21], [sflag:$0x1], $0x280, $0x38;
	[tilespmem:$0x34F8] =	vst v63  }
0x67: {  	_ =	swait.ge @!p0 [sflag:s31], $0x280  }
0x68: {  	[sflag:s31] =	ssyncset.done @!p0 $0x0  }
0x69: {  	[sflag:s31] =	ssyncadd.s32 @!p0 $0xFFFFFD80  }
0x6a: {  	[spmem:s2] =	stream.linear.scatter @!p0 [tilespmem:s21], [sflag:$0x1], $0x280, $0x38;
	[tilespmem:$0x34F8] =	vst v63  }
0x6b: {  	_ =	swait.ge @!p0 [sflag:s31], $0x280  }
0x6c: {  	[sflag:s31] =	ssyncset.done @!p0 $0x0  }
0x6d: {  	[sflag:s31] =	ssyncadd.s32 @!p0 $0xFFFFFD80  }
0x6e: {  	[spmem:s1] =	stream.linear.scatter @!p0 [tilespmem:s21], [sflag:$0x1], $0x280, $0x38;
	[tilespmem:$0x34F8] =	vst v63  }
0x6f: {  	_ =	swait.ge @!p0 [sflag:s31], $0x280  }
0x70: {  	[sflag:s31] =	ssyncset.done @!p0 $0x0  }
0x71: {  	[sflag:s31] =	ssyncadd.s32 @!p0 $0xFFFFFD80  }
0x72: {  	[bflag:$0x0] =	sbarrier.arrive $0xFFFF  }
0x73: {  	[tilespmem:s7], [sflag:$0x1] =	stream.linear.gather [hbm4b:s20+s7], $0xC80, $0x38;
	[tilespmem:$0x34F8] =	vst v63  }
0x74: {  	_ =	swait.ge [sflag:s10], $0xC80  }
0x75: {  	[sflag:s10] =	ssyncset.done $0x0  }
0x76: {  	[sflag:s10] =	ssyncadd.s32 $0xFFFFF380  }
0x77: {  	[tilespmem:s13], [sflag:$0x1] =	stream.linear.gather [hbm4b:s19+s7], $0xC80, $0x38;
	[tilespmem:$0x34F8] =	vst v63  }
0x78: {  	_ =	swait.ge [sflag:s10], $0xC80  }
0x79: {  	[sflag:s10] =	ssyncset.done $0x0  }
0x7a: {  	[sflag:s10] =	ssyncadd.s32 $0xFFFFF380  }
0x7b: {  	[tilespmem:s14], [sflag:$0x1] =	stream.linear.gather [hbm4b:s17+s7], $0xC80, $0x38;
	[tilespmem:$0x34F8] =	vst v63  }
0x7c: {  	_ =	swait.ge [sflag:s10], $0xC80  }
0x7d: {  	[sflag:s10] =	ssyncset.done $0x0  }
0x7e: {  	[sflag:s10] =	ssyncadd.s32 $0xFFFFF380  }
0x7f: {  	[tilespmem:s24], [sflag:$0x1] =	stream.linear.gather @p1 [hbm4b:s16+s23], $0x320, $0x38;
	[tilespmem:$0x34F8] =	vst v63  }
0x80: {  	_ =	swait.ge @p1 [sflag:s22], $0x320  }
0x81: {  	[sflag:s22] =	ssyncset.done @p1 $0x0  }
0x82: {  	[sflag:s22] =	ssyncadd.s32 @p1 $0xFFFFFCE0  }
0x83: {  	[tilespmem:s25], [sflag:$0x1] =	stream.linear.gather @p1 [hbm4b:s11+s23], $0x960, $0x38;
	[tilespmem:$0x34F8] =	vst v63  }
0x84: {  	_ =	swait.ge @p1 [sflag:s22], $0x960  }
0x85: {  	[sflag:s22] =	ssyncset.done @p1 $0x0  }
0x86: {  	[sflag:s22] =	ssyncadd.s32 @p1 $0xFFFFF6A0  }
0x87: {  	[tilespmem:s29], [sflag:$0x1] =	stream.linear.gather @!p1 [hbm4b:s12+s28], $0xC80, $0x38;
	[tilespmem:$0x34F8] =	vst v63  }
0x88: {  	_ =	swait.ge @!p1 [sflag:s26], $0xC80  }
0x89: {  	[sflag:s26] =	ssyncset.done @!p1 $0x0  }
0x8a: {  	[sflag:s26] =	ssyncadd.s32 @!p1 $0xFFFFF380  }
0x8b: {  	[spmem:s3] =	stream.indirect.scatter.add.f32 [tilespmem:s7], [sflag:$0x1], $0x1, s15, s13, $0xb8;
	[tilespmem:$0x34F8] =	vst v63  }
0x8c: {  	_ =	swait.ge [sflag:s10], $0xC80  }
0x8d: {  	[sflag:s10] =	ssyncset.done $0x0  }
0x8e: {  	[sflag:s10] =	ssyncadd.s32 $0xFFFFF380  }
0x8f: {  	[spmem:s2] =	stream.indirect.scatter.add.f32 [tilespmem:s13], [sflag:$0x1], $0x1, s15, s13, $0xb8;
	[tilespmem:$0x34F8] =	vst v63  }
0x90: {  	_ =	swait.ge [sflag:s10], $0xC80  }
0x91: {  	[sflag:s10] =	ssyncset.done $0x0  }
0x92: {  	[sflag:s10] =	ssyncadd.s32 $0xFFFFF380  }
0x93: {  	[spmem:s1] =	stream.indirect.scatter.add.f32 [tilespmem:s14], [sflag:$0x1], $0x1, s15, s13, $0xb8;
	[tilespmem:$0x34F8] =	vst v63  }
0x94: {  	_ =	swait.ge [sflag:s10], $0xC80  }
0x95: {  	[sflag:s10] =	ssyncset.done $0x0  }
0x96: {  	[sflag:s10] =	ssyncadd.s32 $0xFFFFF380  }
0x97: {  	[bflag:$0x0] =	sbarrier.arrive $0xFFFF  }
0x98: {  	[tilespmem:s21], [sflag:$0x1] =	stream.linear.gather @!p0 [spmem:s3], $0x280, $0x38;
	[tilespmem:$0x34F8] =	vst v63  }
0x99: {  	_ =	swait.ge @!p0 [sflag:s31], $0x280  }
0x9a: {  	[sflag:s31] =	ssyncset.done @!p0 $0x0  }
0x9b: {  	[sflag:s31] =	ssyncadd.s32 @!p0 $0xFFFFFD80  }
0x9c: {  	[hbm4b:s9+s8] =	stream.linear.scatter @!p0 [tilespmem:s21], [sflag:$0x1], $0x208, $0x38;
	[tilespmem:$0x34F8] =	vst v63  }
0x9d: {  	_ =	swait.ge @!p0 [sflag:s31], $0x208  }
0x9e: {  	[sflag:s31] =	ssyncset.done @!p0 $0x0  }
0x9f: {  	[sflag:s31] =	ssyncadd.s32 @!p0 $0xFFFFFDF8  }
0xa0: {  	[tilespmem:s21], [sflag:$0x1] =	stream.linear.gather @!p0 [spmem:s2], $0x280, $0x38;
	[tilespmem:$0x34F8] =	vst v63  }
0xa1: {  	_ =	swait.ge @!p0 [sflag:s31], $0x280  }
0xa2: {  	[sflag:s31] =	ssyncset.done @!p0 $0x0  }
0xa3: {  	[sflag:s31] =	ssyncadd.s32 @!p0 $0xFFFFFD80  }
0xa4: {  	[hbm4b:s5+s8] =	stream.linear.scatter @!p0 [tilespmem:s21], [sflag:$0x1], $0x208, $0x38;
	[tilespmem:$0x34F8] =	vst v63  }
0xa5: {  	_ =	swait.ge @!p0 [sflag:s31], $0x208  }
0xa6: {  	[sflag:s31] =	ssyncset.done @!p0 $0x0  }
0xa7: {  	[sflag:s31] =	ssyncadd.s32 @!p0 $0xFFFFFDF8  }
0xa8: {  	[tilespmem:s21], [sflag:$0x1] =	stream.linear.gather @!p0 [spmem:s1], $0x280, $0x38;
	[tilespmem:$0x34F8] =	vst v63  }
0xa9: {  	_ =	swait.ge @!p0 [sflag:s31], $0x280  }
.Ltmp2:
0xaa: {  	[sflag:s31] =	ssyncset.done @!p0 $0x0;
	(pc) =	sbr.rel @p3 .LBB2_4-.Ltmp2, $4  }
0xab: {  	[sflag:s31] =	ssyncadd.s32 @!p0 $0xFFFFFD80  }
0xac: {  	[hbm4b:s4+s8] =	stream.linear.scatter @!p0 [tilespmem:s21], [sflag:$0x1], $0x208, $0x38;
	[tilespmem:$0x34F8] =	vst v63  }
0xad: {  	s8 =	smov.u32 s0;
	_ =	swait.ge @!p0 [sflag:s31], $0x208  }
0xae: {  	[sflag:s31] =	ssyncset.done @!p0 $0x0  }
0xaf: {  	s21 =	rddreg [dreg:$0x6]  }
.LBB2_6:
0xb0: {  	p2 =	por p0, !p2  }
0xb1: {  	s0 =	simm.s32 @!p0 $0x3200;
	[sflag:s31] =	ssyncadd.s32 @!p2 $0xFFFFFDF8  }
0xb2: {  	[tilespmem:s0], [sflag:$0x1] =	stream.linear.gather @!p0 [hbm4b:s18+s8], $0x280, $0x38;
	[tilespmem:$0x34F8] =	vst v63  }
0xb3: {  	_ =	swait.ge @!p0 [sflag:s6], $0x280  }
0xb4: {  	[sflag:s6] =	ssyncset.done @!p0 $0x0  }
0xb5: {  	[sflag:s6] =	ssyncadd.s32 @!p0 $0xFFFFFD80  }
0xb6: {  	[spmem:s3] =	stream.linear.scatter @!p0 [tilespmem:s0], [sflag:$0x1], $0x280, $0x38;
	[tilespmem:$0x34F8] =	vst v63  }
0xb7: {  	_ =	swait.ge @!p0 [sflag:s6], $0x280  }
0xb8: {  	[sflag:s6] =	ssyncset.done @!p0 $0x0  }
0xb9: {  	[sflag:s6] =	ssyncadd.s32 @!p0 $0xFFFFFD80  }
0xba: {  	[spmem:s2] =	stream.linear.scatter @!p0 [tilespmem:s0], [sflag:$0x1], $0x280, $0x38;
	[tilespmem:$0x34F8] =	vst v63  }
0xbb: {  	_ =	swait.ge @!p0 [sflag:s6], $0x280  }
0xbc: {  	[sflag:s6] =	ssyncset.done @!p0 $0x0  }
0xbd: {  	[sflag:s6] =	ssyncadd.s32 @!p0 $0xFFFFFD80  }
0xbe: {  	[spmem:s1] =	stream.linear.scatter @!p0 [tilespmem:s0], [sflag:$0x1], $0x280, $0x38;
	[tilespmem:$0x34F8] =	vst v63  }
0xbf: {  	_ =	swait.ge @!p0 [sflag:s6], $0x280  }
0xc0: {  	[sflag:s6] =	ssyncset.done @!p0 $0x0  }
0xc1: {  	[sflag:s6] =	ssyncadd.s32 @!p0 $0xFFFFFD80  }
0xc2: {  	[bflag:$0x0] =	sbarrier.arrive $0xFFFF  }
0xc3: {  	[tilespmem:s7], [sflag:$0x1] =	stream.linear.gather [hbm4b:s20+s7], $0xC80, $0x38;
	[tilespmem:$0x34F8] =	vst v63  }
0xc4: {  	_ =	swait.ge [sflag:s10], $0xC80  }
0xc5: {  	[sflag:s10] =	ssyncset.done $0x0  }
0xc6: {  	[sflag:s10] =	ssyncadd.s32 $0xFFFFF380  }
0xc7: {  	[tilespmem:s13], [sflag:$0x1] =	stream.linear.gather [hbm4b:s19+s7], $0xC80, $0x38;
	[tilespmem:$0x34F8] =	vst v63  }
0xc8: {  	_ =	swait.ge [sflag:s10], $0xC80  }
0xc9: {  	[sflag:s10] =	ssyncset.done $0x0  }
0xca: {  	[sflag:s10] =	ssyncadd.s32 $0xFFFFF380  }
0xcb: {  	[tilespmem:s14], [sflag:$0x1] =	stream.linear.gather [hbm4b:s17+s7], $0xC80, $0x38;
	[tilespmem:$0x34F8] =	vst v63  }
0xcc: {  	_ =	swait.ge [sflag:s10], $0xC80  }
0xcd: {  	s18 =	simm.s32 @p1 $0x0;
	[sflag:s10] =	ssyncset.done $0x0  }
0xce: {  	s19 =	simm.s32 @p1 $0x2580;
	s17 =	simm.s32 @p1 $0x1;
	[sflag:s10] =	ssyncadd.s32 $0xFFFFF380  }
0xcf: {  	[tilespmem:s19], [sflag:$0x1] =	stream.linear.gather @p1 [hbm4b:s16+s18], $0x320, $0x38;
	[tilespmem:$0x34F8] =	vst v63  }
0xd0: {  	_ =	swait.ge @p1 [sflag:s17], $0x320  }
0xd1: {  	[sflag:s17] =	ssyncset.done @p1 $0x0  }
0xd2: {  	s16 =	simm.s32 @p1 $0x28A0;
	[sflag:s17] =	ssyncadd.s32 @p1 $0xFFFFFCE0  }
0xd3: {  	[tilespmem:s16], [sflag:$0x1] =	stream.linear.gather @p1 [hbm4b:s11+s18], $0x960, $0x38;
	[tilespmem:$0x34F8] =	vst v63  }
0xd4: {  	_ =	swait.ge @p1 [sflag:s17], $0x960  }
0xd5: {  	s11 =	simm.s32 @!p1 $0x1;
	[sflag:s17] =	ssyncset.done @p1 $0x0  }
0xd6: {  	s16 =	simm.s32 @!p1 $0x0;
	[sflag:s17] =	ssyncadd.s32 @p1 $0xFFFFF6A0;
	s17 =	simm.s32 @!p1 $0x2580  }
0xd7: {  	[tilespmem:s17], [sflag:$0x1] =	stream.linear.gather @!p1 [hbm4b:s12+s16], $0xC80, $0x38;
	[tilespmem:$0x34F8] =	vst v63  }
0xd8: {  	_ =	swait.ge @!p1 [sflag:s11], $0xC80  }
0xd9: {  	[sflag:s11] =	ssyncset.done @!p1 $0x0  }
0xda: {  	[sflag:s11] =	ssyncadd.s32 @!p1 $0xFFFFF380  }
0xdb: {  	[spmem:s3] =	stream.indirect.scatter.add.f32 [tilespmem:s7], [sflag:$0x1], $0x1, s15, s13, $0xb8;
	[tilespmem:$0x34F8] =	vst v63  }
0xdc: {  	_ =	swait.ge [sflag:s10], $0xC80  }
0xdd: {  	[sflag:s10] =	ssyncset.done $0x0  }
0xde: {  	[sflag:s10] =	ssyncadd.s32 $0xFFFFF380  }
0xdf: {  	[spmem:s2] =	stream.indirect.scatter.add.f32 [tilespmem:s13], [sflag:$0x1], $0x1, s15, s13, $0xb8;
	[tilespmem:$0x34F8] =	vst v63  }
0xe0: {  	_ =	swait.ge [sflag:s10], $0xC80  }
0xe1: {  	[sflag:s10] =	ssyncset.done $0x0  }
0xe2: {  	[sflag:s10] =	ssyncadd.s32 $0xFFFFF380  }
0xe3: {  	[spmem:s1] =	stream.indirect.scatter.add.f32 [tilespmem:s14], [sflag:$0x1], $0x1, s15, s13, $0xb8;
	[tilespmem:$0x34F8] =	vst v63  }
0xe4: {  	_ =	swait.ge [sflag:s10], $0xC80  }
0xe5: {  	[sflag:s10] =	ssyncset.done $0x0  }
0xe6: {  	[sflag:s10] =	ssyncadd.s32 $0xFFFFF380  }
0xe7: {  	[bflag:$0x0] =	sbarrier.arrive $0xFFFF  }
0xe8: {  	[tilespmem:s0], [sflag:$0x1] =	stream.linear.gather @!p0 [spmem:s3], $0x280, $0x38;
	[tilespmem:$0x34F8] =	vst v63  }
0xe9: {  	_ =	swait.ge @!p0 [sflag:s6], $0x280  }
0xea: {  	[sflag:s6] =	ssyncset.done @!p0 $0x0  }
0xeb: {  	[sflag:s6] =	ssyncadd.s32 @!p0 $0xFFFFFD80  }
0xec: {  	[hbm4b:s9+s8] =	stream.linear.scatter @!p0 [tilespmem:s0], [sflag:$0x1], $0x208, $0x38;
	[tilespmem:$0x34F8] =	vst v63  }
0xed: {  	_ =	swait.ge @!p0 [sflag:s6], $0x208  }
0xee: {  	[sflag:s6] =	ssyncset.done @!p0 $0x0  }
0xef: {  	[sflag:s6] =	ssyncadd.s32 @!p0 $0xFFFFFDF8  }
0xf0: {  	[tilespmem:s0], [sflag:$0x1] =	stream.linear.gather @!p0 [spmem:s2], $0x280, $0x38;
	[tilespmem:$0x34F8] =	vst v63  }
0xf1: {  	_ =	swait.ge @!p0 [sflag:s6], $0x280  }
0xf2: {  	[sflag:s6] =	ssyncset.done @!p0 $0x0  }
0xf3: {  	[sflag:s6] =	ssyncadd.s32 @!p0 $0xFFFFFD80  }
0xf4: {  	[hbm4b:s5+s8] =	stream.linear.scatter @!p0 [tilespmem:s0], [sflag:$0x1], $0x208, $0x38;
	[tilespmem:$0x34F8] =	vst v63  }
0xf5: {  	_ =	swait.ge @!p0 [sflag:s6], $0x208  }
0xf6: {  	[sflag:s6] =	ssyncset.done @!p0 $0x0  }
0xf7: {  	[sflag:s6] =	ssyncadd.s32 @!p0 $0xFFFFFDF8  }
0xf8: {  	[tilespmem:s0], [sflag:$0x1] =	stream.linear.gather @!p0 [spmem:s1], $0x280, $0x38;
	[tilespmem:$0x34F8] =	vst v63  }
0xf9: {  	_ =	swait.ge @!p0 [sflag:s6], $0x280  }
0xfa: {  	[sflag:s6] =	ssyncset.done @!p0 $0x0  }
0xfb: {  	[sflag:s6] =	ssyncadd.s32 @!p0 $0xFFFFFD80  }
0xfc: {  	[hbm4b:s4+s8] =	stream.linear.scatter @!p0 [tilespmem:s0], [sflag:$0x1], $0x208, $0x38;
	[tilespmem:$0x34F8] =	vst v63  }
0xfd: {  	_ =	swait.ge @!p0 [sflag:s6], $0x208  }
0xfe: {  	[sflag:s6] =	ssyncset.done @!p0 $0x0  }
0xff: {  	[sflag:s6] =	ssyncadd.s32 @!p0 $0xFFFFFDF8  }
0x100: {  	_ =	sfence.sel $0x180000  }
0x101: {  	[bflag:$0x0] =	sbarrier.arrive $0xFFFF  }
0x102: {  	_ =	strace $0x90000047  }
0x103: {  	s0 =	sadd.s32 @!p0 $0x100000, s21;
	[bflag:$0x2] =	sbarrier.arrive $0xFFFF  }
0x104: {  	[sflag:s0] =	ssyncadd.tile.s32 @!p0 $0x1;
	_ =	shalt  }
.LBB2_1:
.Ltmp3:
0x105: {  	(pc) =	sbr.rel .LBB2_6-.Ltmp3, $2  }
0x106: {  	_ =	sdelay $0x2  }
0x107: {  	_ = 	snop  }
.LBB2_3:
.Ltmp4:
0x108: {  	(pc) =	sbr.rel .LBB2_6-.Ltmp4, $2  }
0x109: {  	_ =	sdelay $0x2  }
0x10a: {  	s31 =	simm.s32 @!p0 $0x1;
	s21 =	rddreg [dreg:$0x6]  }
.Lfunc_end2:
_tile_overlayer_lowered:
.L_overlay_start_2:
0x10b: {  	(tag) =	ssettag $0x2  }
0x10c: {  	s0 =	rddreg [dreg:$0x0];
	s2 =	stileid.u32  }
0x10d: {  	s1 =	rddreg [dreg:$0x1];
	p0 =	sne.s32 s2, $0x0  }
0x10e: {  	s3 =	rddreg [dreg:$0x2];
	[bflag:$0x3] =	sbarrier.arrive $0xFFFF;
	s2 =	simm.s32 @!p0 $0x1C01  }
0x10f: {  	[timem:s3], [sflag:s2] =	dma.local @!p0 [hbm:s0], s1  }
0x110: {  	s0 =	simm.s32 @!p0 $0x1  }
0x111: {  	_ =	swait.ge @!p0 [sflag:s0], s1  }
0x112: {  	s1 =	ssub.s32 @!p0 $0x0, s1;
	[sflag:s0] =	ssyncset.done @!p0 $0x0  }
0x113: {  	[sflag:s0] =	ssyncadd.s32 @!p0 s1  }
0x114: {  	[bflag:$0x3] =	sbarrier.arrive $0xFFFF  }
0x115: {  	_ =	shalt  }

</sc_bundles>
